<compile_context>
chip_gen: v7x
topology: tpu7x:2x2x1
jax: 0.10.2.dev20260603
libtpu: 0.0.44.dev20260713+nightly
codegen_flags: <defaults>
</compile_context>

<pallas_src>
import functools

import jax
import jax.numpy as jnp
from jax import lax
from jax.experimental import pallas as pl
from jax.experimental.pallas import tpu as pltpu
from jax.experimental.pallas import tpu_sc as plsc

N = 10000
B = 64
NHID = 512
HEADS = 4
RATIO = 0.5

_BN = 400

_CC = 64
_EK = 80
_NTILES = 16
_NPAD = 10240
_EPAD = 163840
_NK = _EPAD // _NTILES // _EK
_DUMMY_DST = N


def _make_agg_kernel(nc):
    cpc = nc // 2
    mesh = plsc.VectorSubcoreMesh(core_axis_name="c", subcore_axis_name="s")

    def body(*refs):
        xcs = refs[0:nc]
        srcr = refs[nc]
        dstr = refs[nc + 1]
        zrows = refs[nc + 2]
        outs = refs[nc + 3:nc + 3 + nc]
        (src_ids, dst_ids, bufs, acc, sem0, sem1) = refs[nc + 3 + nc:]
        sems = (sem0, sem1)

        cid = lax.axis_index("c")
        sid = lax.axis_index("s")
        row0 = sid * (_NPAD // _NTILES)
        nrow = _NPAD // _NTILES

        pltpu.sync_copy(srcr.at[sid], src_ids)
        pltpu.sync_copy(dstr.at[sid], dst_ids)

        def run_phase(xch, oh):
            pltpu.sync_copy(zrows, acc.at[pl.ds(row0, nrow)])
            plsc.subcore_barrier()
            for b in range(2):
                pltpu.make_async_copy(
                    xch.at[src_ids.at[b]], bufs.at[b], sems[b]).start()

            def step(i, carry):
                for b in range(2):
                    k = 2 * i + b
                    pltpu.make_async_copy(
                        xch.at[src_ids.at[k]], bufs.at[b], sems[b]).wait()
                    pltpu.sync_copy(bufs.at[b],
                                    acc.at[dst_ids.at[k]], add=True)

                    @pl.when(k + 2 < _NK)
                    def _():
                        pltpu.make_async_copy(
                            xch.at[src_ids.at[k + 2]], bufs.at[b],
                            sems[b]).start()
                return carry

            lax.fori_loop(0, _NK // 2, step, 0)
            plsc.subcore_barrier()
            pltpu.sync_copy(acc.at[pl.ds(row0, nrow)],
                            oh.at[pl.ds(row0, nrow)])

        for core_val in range(2):
            @pl.when(cid == core_val)
            def _():
                for p in range(cpc):
                    ch = core_val * cpc + p
                    run_phase(xcs[ch], outs[ch])

        return None

    kern = pl.kernel(
        body,
        mesh=mesh,
        compiler_params=pltpu.CompilerParams(use_tc_tiling_on_sc=False),
        out_type=[jax.ShapeDtypeStruct((_NPAD, _CC), jnp.float32)
                  for _ in range(nc)],
        scratch_types=[
            pltpu.VMEM((_NK, _EK), jnp.int32),
            pltpu.VMEM((_NK, _EK), jnp.int32),
            pltpu.VMEM((2, _EK, _CC), jnp.float32),
            pltpu.VMEM_SHARED((_NPAD, _CC), jnp.float32),
            pltpu.SemaphoreType.DMA,
            pltpu.SemaphoreType.DMA,
        ],
    )
    return kern


_NKD = _EPAD // 32 // _EK


def _deg_body(mask8, srcr, dstr, zcol, out, src_ids, dst_ids, vals, acc,
              sem0, sem1):
    sems = (sem0, sem1)
    cid = lax.axis_index("c")
    sid = lax.axis_index("s")
    wid = cid * _NTILES + sid
    row0 = sid * (_NPAD // _NTILES)
    nrow = _NPAD // _NTILES

    pltpu.sync_copy(srcr.at[wid], src_ids)
    pltpu.sync_copy(dstr.at[wid], dst_ids)
    pltpu.sync_copy(zcol, acc.at[pl.ds(row0, nrow)])
    plsc.subcore_barrier()

    for b in range(2):
        pltpu.make_async_copy(
            mask8.at[src_ids.at[b]], vals.at[b], sems[b]).start()

    def step(i, carry):
        for b in range(2):
            k = 2 * i + b
            pltpu.make_async_copy(
                mask8.at[src_ids.at[k]], vals.at[b], sems[b]).wait()
            pltpu.sync_copy(vals.at[b], acc.at[dst_ids.at[k]], add=True)

            @pl.when(k + 2 < _NKD)
            def _():
                pltpu.make_async_copy(
                    mask8.at[src_ids.at[k + 2]], vals.at[b], sems[b]).start()
        return carry

    lax.fori_loop(0, _NKD // 2, step, 0)
    plsc.subcore_barrier()
    pltpu.sync_copy(acc.at[pl.ds(row0, nrow)],
                    out.at[cid].at[pl.ds(row0, nrow)])


_deg_kernel = pl.kernel(
    _deg_body,
    mesh=plsc.VectorSubcoreMesh(core_axis_name="c", subcore_axis_name="s"),
    compiler_params=pltpu.CompilerParams(use_tc_tiling_on_sc=False),
    out_type=jax.ShapeDtypeStruct((2, _NPAD, 8), jnp.float32),
    scratch_types=[
        pltpu.VMEM((_NKD, _EK), jnp.int32),
        pltpu.VMEM((_NKD, _EK), jnp.int32),
        pltpu.VMEM((2, _EK, 8), jnp.float32),
        pltpu.VMEM_SHARED((_NPAD, 8), jnp.float32),
        pltpu.SemaphoreType.DMA,
        pltpu.SemaphoreType.DMA,
    ],
)


@jax.jit
def _sc_deg(mask2d, srcr32, dstr32):
    zcol = jnp.zeros((_NPAD // _NTILES, 8), jnp.float32)
    mask8 = jnp.tile(mask2d, (1, 8))
    outp = _deg_kernel(mask8, srcr32, dstr32, zcol)
    return outp[0, :N, 0] + outp[1, :N, 0]


@functools.partial(jax.jit, static_argnames=("nc",))
def _sc_edge_agg(x, srcr, dstr, nc):
    xcs = [x[:, i * _CC:(i + 1) * _CC] for i in range(nc)]
    zrows = jnp.zeros((_NPAD // _NTILES, _CC), jnp.float32)
    outs = _make_agg_kernel(nc)(*xcs, srcr, dstr, zrows)
    return jnp.concatenate([o[:N] for o in outs], axis=1)


def _dense_body(xagg_ref, x_ref, w_ref, att_t_ref, deg_ref, mask_ref,
                out_ref, key_ref, ts_ref):
    xin = xagg_ref[...] + x_ref[...]
    y = jnp.dot(xin, w_ref[...], preferred_element_type=jnp.float32)
    deg = jnp.maximum(deg_ref[...], 1.0)
    out = y / deg
    out_ref[...] = out
    sh = jnp.tanh(jnp.dot(out, att_t_ref[...],
                          preferred_element_type=jnp.float32))
    s = jnp.mean(sh, axis=1, keepdims=True)
    mask = mask_ref[...]
    key_ref[...] = jnp.where(mask > 0, s, -1e9)
    ts_ref[...] = jnp.tanh(s)


def _dense_layer(xagg, x, w, att, deg, mask2d):
    d = x.shape[1]
    att_t = att.T
    grid = (N // _BN,)
    return pl.pallas_call(
        _dense_body,
        grid=grid,
        in_specs=[
            pl.BlockSpec((_BN, d), lambda i: (i, 0)),
            pl.BlockSpec((_BN, d), lambda i: (i, 0)),
            pl.BlockSpec((d, NHID), lambda i: (0, 0)),
            pl.BlockSpec((NHID, HEADS), lambda i: (0, 0)),
            pl.BlockSpec((_BN, 1), lambda i: (i, 0)),
            pl.BlockSpec((_BN, 1), lambda i: (i, 0)),
        ],
        out_specs=[
            pl.BlockSpec((_BN, NHID), lambda i: (i, 0)),
            pl.BlockSpec((_BN, 1), lambda i: (i, 0)),
            pl.BlockSpec((_BN, 1), lambda i: (i, 0)),
        ],
        out_shape=[
            jax.ShapeDtypeStruct((N, NHID), jnp.float32),
            jax.ShapeDtypeStruct((N, 1), jnp.float32),
            jax.ShapeDtypeStruct((N, 1), jnp.float32),
        ],
    )(xagg, x, w, att_t, deg[:, None], mask2d)


_NROW = 10240 // 128


def _prep_body(kcol_ref, bcol_ref, krow_ref, brow_ref):
    i1 = lax.broadcasted_iota(jnp.int32, (128, 128), 0)
    i2 = lax.broadcasted_iota(jnp.int32, (128, 128), 1)
    eye = (i1 == i2).astype(jnp.float32)
    krow_ref[...] = lax.dot_general(
        kcol_ref[...], eye, (((0,), (0,)), ((), ())),
        preferred_element_type=jnp.float32)[None]
    brow_ref[...] = lax.dot_general(
        bcol_ref[...], eye, (((0,), (0,)), ((), ())),
        preferred_element_type=jnp.float32)[None]


def _prep_rows(key_pad, bat_pad):
    return pl.pallas_call(
        _prep_body,
        grid=(_NROW,),
        in_specs=[pl.BlockSpec((128, 1), lambda i: (i, 0)),
                  pl.BlockSpec((128, 1), lambda i: (i, 0))],
        out_specs=[pl.BlockSpec((1, 1, 128), lambda i: (i, 0, 0)),
                   pl.BlockSpec((1, 1, 128), lambda i: (i, 0, 0))],
        out_shape=[jax.ShapeDtypeStruct((_NROW, 1, 128), jnp.float32),
                   jax.ShapeDtypeStruct((_NROW, 1, 128), jnp.float32)],
    )(key_pad, bat_pad)


_BR = 80


def _make_rank_body(use_relu):
    def body(jlo_ref, jhi_ref, kcol_ref, bcol_ref, krow_ref, brow_ref,
             kper_ref, out_ref, ts_ref, mask_ref, xout_ref):
        ib = pl.program_id(0)
        kcol = kcol_ref[...]
        bcol = bcol_ref[...]
        KR = krow_ref[...].reshape(_NROW, 128)
        BR_ = brow_ref[...].reshape(_NROW, 128)
        igl = ib * _BR + lax.broadcasted_iota(jnp.int32, (_BR, 1), 0)
        jin = lax.broadcasted_iota(jnp.int32, (1, 128), 1)
        rsel_i = lax.broadcasted_iota(jnp.int32, (_NROW, 1), 0)

        def jstep(jc, cnt):
            sel = (rsel_i == jc).astype(jnp.float32)
            krow = jnp.sum(KR * sel, axis=0, keepdims=True)
            brow = jnp.sum(BR_ * sel, axis=0, keepdims=True)
            jgl = jc * 128 + jin
            same = bcol == brow
            beat = (krow > kcol) | ((krow == kcol) & (jgl < igl))
            return cnt + jnp.sum(jnp.where(same & beat, 1.0, 0.0),
                                 axis=1, keepdims=True)

        cnt = lax.fori_loop(jlo_ref[ib], jhi_ref[ib], jstep,
                            jnp.zeros((_BR, 1), jnp.float32))
        gid = lax.broadcasted_iota(jnp.int32, (1, B), 1).astype(jnp.float32)
        onehot = (bcol == gid).astype(jnp.float32)
        kper_col = jnp.dot(onehot, kper_ref[...],
                           preferred_element_type=jnp.float32)
        keep = jnp.where((cnt < kper_col) & (kcol > -1e8), 1.0, 0.0)
        mask_ref[...] = keep
        xo = out_ref[...] * ts_ref[...] * keep
        if use_relu:
            xo = jnp.maximum(xo, 0.0)
        xout_ref[...] = xo
    return body


def _rank_finalize(jlo, jhi, key, bcolf, krow, brow, kper, out, ts, use_relu):
    grid_spec = pltpu.PrefetchScalarGridSpec(
        num_scalar_prefetch=2,
        grid=(N // _BR,),
        in_specs=[
            pl.BlockSpec((_BR, 1), lambda i, jl, jh: (i, 0)),
            pl.BlockSpec((_BR, 1), lambda i, jl, jh: (i, 0)),
            pl.BlockSpec((_NROW, 1, 128), lambda i, jl, jh: (0, 0, 0)),
            pl.BlockSpec((_NROW, 1, 128), lambda i, jl, jh: (0, 0, 0)),
            pl.BlockSpec((B, 1), lambda i, jl, jh: (0, 0)),
            pl.BlockSpec((_BR, NHID), lambda i, jl, jh: (i, 0)),
            pl.BlockSpec((_BR, 1), lambda i, jl, jh: (i, 0)),
        ],
        out_specs=[
            pl.BlockSpec((_BR, 1), lambda i, jl, jh: (i, 0)),
            pl.BlockSpec((_BR, NHID), lambda i, jl, jh: (i, 0)),
        ],
    )
    return pl.pallas_call(
        _make_rank_body(use_relu),
        grid_spec=grid_spec,
        out_shape=[jax.ShapeDtypeStruct((N, 1), jnp.float32),
                   jax.ShapeDtypeStruct((N, NHID), jnp.float32)],
    )(jlo, jhi, key, bcolf, krow, brow, kper, out, ts)


def _readout_body(starts_ref, ends_ref, x_ref, m_ref,
                  ssum_ref, mx_ref, cnt_ref):
    g = pl.program_id(0)

    @pl.when(g == 0)
    def _():
        ssum_ref[...] = jnp.zeros_like(ssum_ref)
        mx_ref[...] = jnp.zeros_like(mx_ref)
        cnt_ref[...] = jnp.zeros_like(cnt_ref)

    start = starts_ref[g]
    end = ends_ref[g]
    c0 = start // 8
    nch = (end - c0 * 8 + 7) // 8

    def step2(i, carry):
        acc_s, acc_m, acc_c = carry
        r0 = (c0 + i) * 8
        rows = x_ref[pl.ds(r0, 8), :]
        mrows = m_ref[pl.ds(r0, 8), :]
        rowid = r0 + lax.broadcasted_iota(jnp.int32, (8, 1), 0)
        sel = (rowid >= start) & (rowid < end)
        acc_s = acc_s + jnp.where(sel, rows, 0.0)
        acc_c = acc_c + jnp.where(sel, mrows, 0.0)
        xm = jnp.where(sel & (mrows > 0), rows, -1e30)
        return acc_s, jnp.maximum(acc_m, xm), acc_c

    z = (jnp.zeros((8, NHID), jnp.float32),
         jnp.full((8, NHID), -1e30, jnp.float32),
         jnp.zeros((8, 1), jnp.float32))
    acc_s, acc_m, acc_c = lax.fori_loop(0, nch, step2, z)
    s1 = jnp.sum(acc_s, axis=0, keepdims=True)
    m1 = jnp.max(acc_m, axis=0, keepdims=True)
    m1 = jnp.where(m1 <= -1e29, 0.0, m1)
    c1 = jnp.sum(acc_c, axis=0, keepdims=True)
    rsel = lax.broadcasted_iota(jnp.int32, (B, 1), 0) == g
    ssum_ref[...] = jnp.where(rsel, s1, ssum_ref[...])
    mx_ref[...] = jnp.where(rsel, m1, mx_ref[...])
    cnt_ref[...] = jnp.where(rsel, c1, cnt_ref[...])


def _readout(x, mask2d, starts, ends):
    grid_spec = pltpu.PrefetchScalarGridSpec(
        num_scalar_prefetch=2,
        grid=(B,),
        in_specs=[
            pl.BlockSpec((N, NHID), lambda i, s, e: (0, 0)),
            pl.BlockSpec((N, 1), lambda i, s, e: (0, 0)),
        ],
        out_specs=[
            pl.BlockSpec((B, NHID), lambda i, s, e: (0, 0)),
            pl.BlockSpec((B, NHID), lambda i, s, e: (0, 0)),
            pl.BlockSpec((B, 1), lambda i, s, e: (0, 0)),
        ],
    )
    ssum, mx, cnt = pl.pallas_call(
        _readout_body,
        grid_spec=grid_spec,
        out_shape=[jax.ShapeDtypeStruct((B, NHID), jnp.float32),
                   jax.ShapeDtypeStruct((B, NHID), jnp.float32),
                   jax.ShapeDtypeStruct((B, 1), jnp.float32)],
    )(starts, ends, x, mask2d)
    mean = ssum / jnp.maximum(cnt, 1.0)
    return jnp.concatenate([ssum, mean, mx], axis=-1), cnt


def _edge_agg(x, mask2d, srcr, dstr, srcr32, dstr32):
    xagg = _sc_edge_agg(x, srcr, dstr, nc=x.shape[1] // _CC)
    deg = _sc_deg(mask2d, srcr32, dstr32) + mask2d[:, 0]
    return xagg, deg


def _elsa_layer(x, mask, edges, meta, w, att, n_active, use_relu):
    srcr, dstr, srcr32, dstr32 = edges
    bcolf, bat_pad, jlo, jhi = meta
    xagg, deg = _edge_agg(x, mask, srcr, dstr, srcr32, dstr32)
    out, key, ts = _dense_layer(xagg, x, w, att, deg, mask)
    k_per = jnp.ceil(RATIO * n_active)
    key_pad = jnp.concatenate(
        [key, jnp.full((10240 - N, 1), -1e30, jnp.float32)])
    krow, brow = _prep_rows(key_pad, bat_pad)
    new_mask2d, x_out = _rank_finalize(jlo, jhi, key, bcolf, krow, brow,
                                       k_per, out, ts, use_relu)
    return x_out, new_mask2d


def kernel(x, edge_index, batch, W1, att1, W2, att2, W3, att3,
           lin1_w, lin1_b, lin2_w, lin2_b, lin3_w, lin3_b):
    src, dst = edge_index[0], edge_index[1]
    e = src.shape[0]
    pad = _EPAD - e
    src_p = jnp.concatenate([src, jnp.zeros((pad,), src.dtype)])
    dst_p = jnp.concatenate([dst, jnp.full((pad,), _DUMMY_DST, dst.dtype)])
    edges = (src_p.reshape(_NTILES, _NK, _EK),
             dst_p.reshape(_NTILES, _NK, _EK),
             src_p.reshape(2 * _NTILES, _NKD, _EK),
             dst_p.reshape(2 * _NTILES, _NKD, _EK))

    bcolf = batch.astype(jnp.float32)[:, None]
    bat_pad = jnp.concatenate(
        [bcolf, jnp.full((10240 - N, 1), 1e9, jnp.float32)])
    gids = jnp.arange(B, dtype=batch.dtype)
    starts = jnp.searchsorted(batch, gids).astype(jnp.int32)
    ends = jnp.searchsorted(batch, gids, side="right").astype(jnp.int32)
    gfirst = batch[::_BR]
    glast = batch[_BR - 1::_BR]
    jlo = (starts[gfirst] // 128).astype(jnp.int32)
    jhi = ((ends[glast] + 127) // 128).astype(jnp.int32)
    meta = (bcolf, bat_pad, jlo, jhi)

    mask0 = jnp.ones((N, 1), x.dtype)
    n_active0 = jnp.bincount(batch, length=B).astype(x.dtype)[:, None]

    x1, m1 = _elsa_layer(x, mask0, edges, meta, W1, att1,
                         n_active0, use_relu=False)
    xs, cnt1 = _readout(x1, m1, starts, ends)
    x2, m2 = _elsa_layer(x1, m1, edges, meta, W2, att2,
                         cnt1, use_relu=True)
    r2, cnt2 = _readout(x2, m2, starts, ends)
    xs = xs + r2
    x3, m3 = _elsa_layer(x2, m2, edges, meta, W3, att3,
                         cnt2, use_relu=True)
    r3, _ = _readout(x3, m3, starts, ends)
    xs = xs + r3

    return _mlp_head(xs, lin1_w, lin1_b[None], lin2_w, lin2_b[None],
                     lin3_w, lin3_b[None])


def _mlp_body(xs_ref, w1_ref, b1_ref, w2_ref, b2_ref, w3_ref, b3_ref,
              out_ref):
    h = jnp.maximum(jnp.dot(xs_ref[...], w1_ref[...],
                            preferred_element_type=jnp.float32)
                    + b1_ref[...], 0.0)
    h = jnp.maximum(jnp.dot(h, w2_ref[...],
                            preferred_element_type=jnp.float32)
                    + b2_ref[...], 0.0)
    logits = jnp.dot(h, w3_ref[...],
                     preferred_element_type=jnp.float32) + b3_ref[...]
    shifted = logits - jnp.max(logits, axis=1, keepdims=True)
    lse = jnp.log(jnp.sum(jnp.exp(shifted), axis=1, keepdims=True))
    out_ref[...] = shifted - lse


def _mlp_head(xs, w1, b1, w2, b2, w3, b3):
    c = w3.shape[1]
    return pl.pallas_call(
        _mlp_body,
        out_shape=jax.ShapeDtypeStruct((B, c), jnp.float32),
    )(xs, w1, b1, w2, b2, w3, b3)

# --- scband reference (transcript-rebuilt; emitter-appended) ---
"""Pipeline reference for scband-net-70944269795892 (READ-ONLY COPY).

The authoritative reference and input builder live on the scoring server;
editing this copy changes nothing except your own understanding.
"""

import jax, jax.numpy as jnp
import numpy as np

N = 10000
E = 160000
D = 256
NHID = 512
HEADS = 4
B = 64
C = 10
RATIO = 0.5


def _elsa(x, node_mask, src, dst, batch, W, att):
    n = x.shape[0]
    h = x @ W
    emask = node_mask[src] * node_mask[dst]
    agg = jnp.zeros_like(h).at[dst].add(h[src] * emask[:, None])
    deg = jnp.zeros((n,), h.dtype).at[dst].add(emask) + node_mask
    deg = jnp.where(deg > 0, deg, 1.0)
    out = (agg + h * node_mask[:, None]) / deg[:, None]
    s = jnp.tanh(out @ att.T).mean(axis=1)
    key = jax.lax.stop_gradient(jnp.where(node_mask > 0, s, -1e9))
    order = jnp.lexsort((-key, batch))
    counts_all = jnp.bincount(batch, length=B)
    offsets = jnp.concatenate([jnp.zeros((1,), counts_all.dtype), jnp.cumsum(counts_all)[:-1]])
    rank_sorted = jnp.arange(n) - offsets[batch[order]]
    rank = jnp.zeros((n,), rank_sorted.dtype).at[order].set(rank_sorted)
    n_active = jnp.zeros((B,), x.dtype).at[batch].add(node_mask)
    k_per = jnp.ceil(RATIO * n_active)
    keep = (rank < k_per[batch]) & (node_mask > 0)
    new_mask = keep.astype(x.dtype)
    x_out = out * jnp.tanh(s)[:, None] * new_mask[:, None]
    return x_out, new_mask


def _readout(x, batch, mask):
    d = x.shape[1]
    ssum = jnp.zeros((B, d), x.dtype).at[batch].add(x)
    cnt = jnp.maximum(jnp.zeros((B,), x.dtype).at[batch].add(mask), 1.0)
    mean = ssum / cnt[:, None]
    xm = jnp.where(mask[:, None] > 0, x, -1e30)
    mx = jnp.full((B, d), -1e30, x.dtype).at[batch].max(xm)
    mx = jnp.where(mx <= -1e29, 0.0, mx)
    return jnp.concatenate([ssum, mean, mx], axis=-1)


def setup_inputs(seed: int = 0):
    key = jax.random.key(seed)
    ks = jax.random.split(key, 16)
    inp = {}
    inp["x"] = jax.random.normal(ks[0], (N, D), dtype=jnp.float32)
    inp["edge_index"] = jax.random.randint(ks[1], (2, E), 0, N, dtype=jnp.int32)
    inp["batch"] = jnp.sort(jax.random.randint(ks[2], (N,), 0, B, dtype=jnp.int32))
    inp["W1"] = jax.random.normal(ks[3], (D, NHID), dtype=jnp.float32) * 0.05
    inp["att1"] = jax.random.normal(ks[4], (HEADS, NHID), dtype=jnp.float32) * 0.05
    inp["W2"] = jax.random.normal(ks[5], (NHID, NHID), dtype=jnp.float32) * 0.05
    inp["att2"] = jax.random.normal(ks[6], (HEADS, NHID), dtype=jnp.float32) * 0.05
    inp["W3"] = jax.random.normal(ks[7], (NHID, NHID), dtype=jnp.float32) * 0.05
    inp["att3"] = jax.random.normal(ks[8], (HEADS, NHID), dtype=jnp.float32) * 0.05
    inp["lin1_w"] = jax.random.normal(ks[9], (3 * NHID, NHID), dtype=jnp.float32) * 0.05
    inp["lin1_b"] = jnp.zeros((NHID,), jnp.float32)
    inp["lin2_w"] = jax.random.normal(ks[10], (NHID, NHID // 2), dtype=jnp.float32) * 0.05
    inp["lin2_b"] = jnp.zeros((NHID // 2,), jnp.float32)
    inp["lin3_w"] = jax.random.normal(ks[11], (NHID // 2, C), dtype=jnp.float32) * 0.05
    inp["lin3_b"] = jnp.zeros((C,), jnp.float32)
    return inp


def reference(x, edge_index, batch, W1, att1, W2, att2, W3, att3, lin1_w, lin1_b, lin2_w, lin2_b, lin3_w, lin3_b):
    src, dst = edge_index[0], edge_index[1]
    mask0 = jnp.ones((x.shape[0],), x.dtype)
    x1, m1 = _elsa(x, mask0, src, dst, batch, W1, att1)
    xs = _readout(x1, batch, m1)
    x2, m2 = _elsa(x1, m1, src, dst, batch, W2, att2)
    x2 = jax.nn.relu(x2)
    xs = xs + _readout(x2, batch, m2)
    x3, m3 = _elsa(x2, m2, src, dst, batch, W3, att3)
    x3 = jax.nn.relu(x3)
    xs = xs + _readout(x3, batch, m3)
    h = jax.nn.relu(xs @ lin1_w + lin1_b)
    h = jax.nn.relu(h @ lin2_w + lin2_b)
    logits = h @ lin3_w + lin3_b
    return jax.nn.log_softmax(logits, axis=-1)

if __name__ == "__main__":
    import jax
    _d = setup_inputs()
    print(jax.jit(kernel)(*tuple(_d.values())))

</pallas_src>

<mosaic_0001>
#map = affine_map<(d0, d1) -> (0, 0)>
#map1 = affine_map<(d0, d1) -> (0, 0, 0)>
module attributes {stable_mosaic.version = 14 : i64} {
  func.func @body(%arg0: i32, %arg1: i32, %arg2: memref<10000x64xf32, #tpu.memory_space<hbm>>, %arg3: memref<10000x64xf32, #tpu.memory_space<hbm>>, %arg4: memref<10000x64xf32, #tpu.memory_space<hbm>>, %arg5: memref<10000x64xf32, #tpu.memory_space<hbm>>, %arg6: memref<16x128x80xi32, #tpu.memory_space<hbm>>, %arg7: memref<16x128x80xi32, #tpu.memory_space<hbm>>, %arg8: memref<640x64xf32, #tpu.memory_space<hbm>>, %arg9: memref<10240x64xf32, #tpu.memory_space<hbm>>, %arg10: memref<10240x64xf32, #tpu.memory_space<hbm>>, %arg11: memref<10240x64xf32, #tpu.memory_space<hbm>>, %arg12: memref<10240x64xf32, #tpu.memory_space<hbm>>, %arg13: memref<128x80xi32, #tpu.memory_space<vmem>>, %arg14: memref<128x80xi32, #tpu.memory_space<vmem>>, %arg15: memref<2x80x64xf32, #tpu.memory_space<vmem>>, %arg16: memref<10240x64xf32, #tpu.memory_space<vmem_shared>>, %arg17: memref<!tpu.dma_semaphore, #tpu.memory_space<semaphore_mem>>, %arg18: memref<!tpu.dma_semaphore, #tpu.memory_space<semaphore_mem>>) attributes {dimension_semantics = [#tpu.dimension_semantics<core_parallel>, #tpu.dimension_semantics<subcore_parallel>], iteration_bounds = array<i64: 2, 16>, scalar_prefetch = 0 : i64, scratch_operands = 6 : i64, tpu.core_type = #tpu.core_type<sc_vector_subcore>, window_params = [{transform_indices = #map}, {transform_indices = #map}, {transform_indices = #map}, {transform_indices = #map}, {transform_indices = #map1}, {transform_indices = #map1}, {transform_indices = #map}, {transform_indices = #map}, {transform_indices = #map}, {transform_indices = #map}, {transform_indices = #map}]} {
    %mul3A = arith.constant 640 : i32
    %mul3A_0 = arith.muli %arg1, %mul3A : i32
    "tpu.region"() ({
      %run_scoped3A = tpu.sem_alloc : memref<!tpu.dma_semaphore, #tpu.memory_space<semaphore_mem>>
      %dma_start3A = arith.constant 0 : i32
      %dma_start3A_8 = arith.constant 0 : i32
      %dma_start3A_9 = tpu.memref_slice %arg6[%arg1, %dma_start3A, %dma_start3A_8] : memref<16x128x80xi32, #tpu.memory_space<hbm>> -> memref<1x128x80xi32, #tpu.memory_space<hbm>>
      %dma_start3A_10 = tpu.memref_squeeze %dma_start3A_9 : memref<1x128x80xi32, #tpu.memory_space<hbm>> -> memref<128x80xi32, #tpu.memory_space<hbm>>
      %dma_start3A_11 = arith.constant 0 : i32
      %dma_start3A_12 = arith.constant 0 : i32
      %dma_start3A_13 = tpu.memref_slice %arg6[%arg1, %dma_start3A_11, %dma_start3A_12] : memref<16x128x80xi32, #tpu.memory_space<hbm>> -> memref<1x128x80xi32, #tpu.memory_space<hbm>>
      %dma_start3A_14 = tpu.memref_squeeze %dma_start3A_13 : memref<1x128x80xi32, #tpu.memory_space<hbm>> -> memref<128x80xi32, #tpu.memory_space<hbm>>
      tpu.enqueue_dma source(%dma_start3A_14 : memref<128x80xi32, #tpu.memory_space<hbm>>) target(%arg13 : memref<128x80xi32, #tpu.memory_space<vmem>>) target_semaphore(%run_scoped3A : memref<!tpu.dma_semaphore, #tpu.memory_space<semaphore_mem>>)
      %dma_wait3A = arith.constant 0 : i32
      %dma_wait3A_15 = arith.constant 0 : i32
      %dma_wait3A_16 = tpu.memref_slice %arg6[%arg1, %dma_wait3A, %dma_wait3A_15] : memref<16x128x80xi32, #tpu.memory_space<hbm>> -> memref<1x128x80xi32, #tpu.memory_space<hbm>>
      %dma_wait3A_17 = tpu.memref_squeeze %dma_wait3A_16 : memref<1x128x80xi32, #tpu.memory_space<hbm>> -> memref<128x80xi32, #tpu.memory_space<hbm>>
      %dma_wait3A_18 = arith.constant 0 : i32
      %dma_wait3A_19 = arith.constant 0 : i32
      %dma_wait3A_20 = tpu.memref_slice %arg6[%arg1, %dma_wait3A_18, %dma_wait3A_19] : memref<16x128x80xi32, #tpu.memory_space<hbm>> -> memref<1x128x80xi32, #tpu.memory_space<hbm>>
      %dma_wait3A_21 = tpu.memref_squeeze %dma_wait3A_20 : memref<1x128x80xi32, #tpu.memory_space<hbm>> -> memref<128x80xi32, #tpu.memory_space<hbm>>
      tpu.wait_dma2 semaphore(%run_scoped3A : memref<!tpu.dma_semaphore, #tpu.memory_space<semaphore_mem>>) src(%dma_wait3A_21 : memref<128x80xi32, #tpu.memory_space<hbm>>) dst(%arg13 : memref<128x80xi32, #tpu.memory_space<vmem>>)
      tpu.yield
    }) : () -> ()
    "tpu.region"() ({
      %run_scoped3A = tpu.sem_alloc : memref<!tpu.dma_semaphore, #tpu.memory_space<semaphore_mem>>
      %dma_start3A = arith.constant 0 : i32
      %dma_start3A_8 = arith.constant 0 : i32
      %dma_start3A_9 = tpu.memref_slice %arg7[%arg1, %dma_start3A, %dma_start3A_8] : memref<16x128x80xi32, #tpu.memory_space<hbm>> -> memref<1x128x80xi32, #tpu.memory_space<hbm>>
      %dma_start3A_10 = tpu.memref_squeeze %dma_start3A_9 : memref<1x128x80xi32, #tpu.memory_space<hbm>> -> memref<128x80xi32, #tpu.memory_space<hbm>>
      %dma_start3A_11 = arith.constant 0 : i32
      %dma_start3A_12 = arith.constant 0 : i32
      %dma_start3A_13 = tpu.memref_slice %arg7[%arg1, %dma_start3A_11, %dma_start3A_12] : memref<16x128x80xi32, #tpu.memory_space<hbm>> -> memref<1x128x80xi32, #tpu.memory_space<hbm>>
      %dma_start3A_14 = tpu.memref_squeeze %dma_start3A_13 : memref<1x128x80xi32, #tpu.memory_space<hbm>> -> memref<128x80xi32, #tpu.memory_space<hbm>>
      tpu.enqueue_dma source(%dma_start3A_14 : memref<128x80xi32, #tpu.memory_space<hbm>>) target(%arg14 : memref<128x80xi32, #tpu.memory_space<vmem>>) target_semaphore(%run_scoped3A : memref<!tpu.dma_semaphore, #tpu.memory_space<semaphore_mem>>)
      %dma_wait3A = arith.constant 0 : i32
      %dma_wait3A_15 = arith.constant 0 : i32
      %dma_wait3A_16 = tpu.memref_slice %arg7[%arg1, %dma_wait3A, %dma_wait3A_15] : memref<16x128x80xi32, #tpu.memory_space<hbm>> -> memref<1x128x80xi32, #tpu.memory_space<hbm>>
      %dma_wait3A_17 = tpu.memref_squeeze %dma_wait3A_16 : memref<1x128x80xi32, #tpu.memory_space<hbm>> -> memref<128x80xi32, #tpu.memory_space<hbm>>
      %dma_wait3A_18 = arith.constant 0 : i32
      %dma_wait3A_19 = arith.constant 0 : i32
      %dma_wait3A_20 = tpu.memref_slice %arg7[%arg1, %dma_wait3A_18, %dma_wait3A_19] : memref<16x128x80xi32, #tpu.memory_space<hbm>> -> memref<1x128x80xi32, #tpu.memory_space<hbm>>
      %dma_wait3A_21 = tpu.memref_squeeze %dma_wait3A_20 : memref<1x128x80xi32, #tpu.memory_space<hbm>> -> memref<128x80xi32, #tpu.memory_space<hbm>>
      tpu.wait_dma2 semaphore(%run_scoped3A : memref<!tpu.dma_semaphore, #tpu.memory_space<semaphore_mem>>) src(%dma_wait3A_21 : memref<128x80xi32, #tpu.memory_space<hbm>>) dst(%arg14 : memref<128x80xi32, #tpu.memory_space<vmem>>)
      tpu.yield
    }) : () -> ()
    %eq3A = arith.constant 0 : i32
    %eq3A_1 = arith.cmpi eq, %arg0, %eq3A : i32
    %convert_element_type3A = arith.extui %eq3A_1 : i1 to i32
    %cond3A = arith.constant 0 : i32
    %cond3A_2 = arith.cmpi ne, %convert_element_type3A, %cond3A : i32
    scf.if %cond3A_2 {
      "tpu.region"() ({
        %run_scoped3A = tpu.sem_alloc : memref<!tpu.dma_semaphore, #tpu.memory_space<semaphore_mem>>
        %dma_start3A_69 = arith.constant 0 : i32
        %dma_start3A_70 = tpu.memref_slice %arg16[%mul3A_0, %dma_start3A_69] : memref<10240x64xf32, #tpu.memory_space<vmem_shared>> -> memref<640x64xf32, #tpu.memory_space<vmem_shared>>
        tpu.enqueue_dma source(%arg8 : memref<640x64xf32, #tpu.memory_space<hbm>>) target(%dma_start3A_70 : memref<640x64xf32, #tpu.memory_space<vmem_shared>>) target_semaphore(%run_scoped3A : memref<!tpu.dma_semaphore, #tpu.memory_space<semaphore_mem>>)
        %dma_wait3A = arith.constant 0 : i32
        %dma_wait3A_71 = tpu.memref_slice %arg16[%mul3A_0, %dma_wait3A] : memref<10240x64xf32, #tpu.memory_space<vmem_shared>> -> memref<640x64xf32, #tpu.memory_space<vmem_shared>>
        tpu.wait_dma2 semaphore(%run_scoped3A : memref<!tpu.dma_semaphore, #tpu.memory_space<semaphore_mem>>) src(%arg8 : memref<640x64xf32, #tpu.memory_space<hbm>>) dst(%dma_wait3A_71 : memref<640x64xf32, #tpu.memory_space<vmem_shared>>)
        tpu.yield
      }) : () -> ()
      %barrier3A = arith.constant 0 : index
      tpu.barrier barrier_id(%barrier3A)
      %dma_start3A = arith.constant 0 : i32
      %dma_start3A_8 = arith.constant 0 : i32
      %dma_start3A_9 = arith.constant 0 : i32
      %dma_start3A_10 = arith.constant 0 : i32
      %dma_start3A_11 = tpu.memref_slice %arg15[%dma_start3A_8, %dma_start3A_9, %dma_start3A_10] : memref<2x80x64xf32, #tpu.memory_space<vmem>> -> memref<1x80x64xf32, #tpu.memory_space<vmem>>
      %dma_start3A_12 = tpu.memref_squeeze %dma_start3A_11 : memref<1x80x64xf32, #tpu.memory_space<vmem>> -> memref<80x64xf32, #tpu.memory_space<vmem>>
      %dma_start3A_13 = arith.constant 0 : i32
      %dma_start3A_14 = tpu.memref_slice %arg13[%dma_start3A, %dma_start3A_13] : memref<128x80xi32, #tpu.memory_space<vmem>> -> memref<1x80xi32, #tpu.memory_space<vmem>>
      %dma_start3A_15 = tpu.memref_squeeze %dma_start3A_14 : memref<1x80xi32, #tpu.memory_space<vmem>> -> memref<80xi32, #tpu.memory_space<vmem>>
      %dma_start3A_16 = arith.constant 0 : i32
      %dma_start3A_17 = arith.constant 0 : i32
      %dma_start3A_18 = tpu.memref_slice %arg2[%dma_start3A_16, %dma_start3A_17] : memref<10000x64xf32, #tpu.memory_space<hbm>> -> memref<10000x64xf32, #tpu.memory_space<hbm>>
      tpu.enqueue_indirect_dma source(%dma_start3A_18 : memref<10000x64xf32, #tpu.memory_space<hbm>>) target(%dma_start3A_12 : memref<80x64xf32, #tpu.memory_space<vmem>>) offsets(%dma_start3A_15 : memref<80xi32, #tpu.memory_space<vmem>>) semaphore(%arg17 : memref<!tpu.dma_semaphore, #tpu.memory_space<semaphore_mem>>)
      %dma_start3A_19 = arith.constant 1 : i32
      %dma_start3A_20 = arith.constant 1 : i32
      %dma_start3A_21 = arith.constant 0 : i32
      %dma_start3A_22 = arith.constant 0 : i32
      %dma_start3A_23 = tpu.memref_slice %arg15[%dma_start3A_20, %dma_start3A_21, %dma_start3A_22] : memref<2x80x64xf32, #tpu.memory_space<vmem>> -> memref<1x80x64xf32, #tpu.memory_space<vmem>>
      %dma_start3A_24 = tpu.memref_squeeze %dma_start3A_23 : memref<1x80x64xf32, #tpu.memory_space<vmem>> -> memref<80x64xf32, #tpu.memory_space<vmem>>
      %dma_start3A_25 = arith.constant 0 : i32
      %dma_start3A_26 = tpu.memref_slice %arg13[%dma_start3A_19, %dma_start3A_25] : memref<128x80xi32, #tpu.memory_space<vmem>> -> memref<1x80xi32, #tpu.memory_space<vmem>>
      %dma_start3A_27 = tpu.memref_squeeze %dma_start3A_26 : memref<1x80xi32, #tpu.memory_space<vmem>> -> memref<80xi32, #tpu.memory_space<vmem>>
      %dma_start3A_28 = arith.constant 0 : i32
      %dma_start3A_29 = arith.constant 0 : i32
      %dma_start3A_30 = tpu.memref_slice %arg2[%dma_start3A_28, %dma_start3A_29] : memref<10000x64xf32, #tpu.memory_space<hbm>> -> memref<10000x64xf32, #tpu.memory_space<hbm>>
      tpu.enqueue_indirect_dma source(%dma_start3A_30 : memref<10000x64xf32, #tpu.memory_space<hbm>>) target(%dma_start3A_24 : memref<80x64xf32, #tpu.memory_space<vmem>>) offsets(%dma_start3A_27 : memref<80xi32, #tpu.memory_space<vmem>>) semaphore(%arg18 : memref<!tpu.dma_semaphore, #tpu.memory_space<semaphore_mem>>)
      %scan3A = arith.constant 0 : i32
      %scan3A_31 = arith.constant 0 : i32
      %scan3A_32 = arith.constant 64 : i32
      %scan3A_33 = arith.addi %scan3A_31, %scan3A_32 : i32
      %scan3A_34 = arith.constant 1 : i32
      scf.for %scan3A_69 = %scan3A_31 to %scan3A_33 step %scan3A_34  : i32 {
        %mul3A_70 = arith.constant 2 : i32
        %mul3A_71 = arith.muli %mul3A_70, %scan3A_69 : i32
        %add3A = arith.constant 0 : i32
        %add3A_72 = arith.addi %mul3A_71, %add3A : i32
        %dma_wait3A = arith.constant 0 : i32
        %dma_wait3A_73 = arith.constant 0 : i32
        %dma_wait3A_74 = arith.constant 0 : i32
        %dma_wait3A_75 = tpu.memref_slice %arg15[%dma_wait3A, %dma_wait3A_73, %dma_wait3A_74] : memref<2x80x64xf32, #tpu.memory_space<vmem>> -> memref<1x80x64xf32, #tpu.memory_space<vmem>>
        %dma_wait3A_76 = tpu.memref_squeeze %dma_wait3A_75 : memref<1x80x64xf32, #tpu.memory_space<vmem>> -> memref<80x64xf32, #tpu.memory_space<vmem>>
        %dma_wait3A_77 = arith.constant 0 : i32
        %dma_wait3A_78 = tpu.memref_slice %arg13[%add3A_72, %dma_wait3A_77] : memref<128x80xi32, #tpu.memory_space<vmem>> -> memref<1x80xi32, #tpu.memory_space<vmem>>
        %dma_wait3A_79 = tpu.memref_squeeze %dma_wait3A_78 : memref<1x80xi32, #tpu.memory_space<vmem>> -> memref<80xi32, #tpu.memory_space<vmem>>
        %dma_wait3A_80 = arith.constant 0 : i32
        %dma_wait3A_81 = arith.constant 0 : i32
        %dma_wait3A_82 = tpu.memref_slice %arg2[%dma_wait3A_80, %dma_wait3A_81] : memref<10000x64xf32, #tpu.memory_space<hbm>> -> memref<10000x64xf32, #tpu.memory_space<hbm>>
        tpu.wait_indirect_dma semaphore(%arg17 : memref<!tpu.dma_semaphore, #tpu.memory_space<semaphore_mem>>) src(%dma_wait3A_82 : memref<10000x64xf32, #tpu.memory_space<hbm>>) dst(%dma_wait3A_76 : memref<80x64xf32, #tpu.memory_space<vmem>>)
        %run_scoped3A = arith.constant 0 : i32
        "tpu.region"() ({
          %run_scoped3A_112 = tpu.sem_alloc : memref<!tpu.dma_semaphore, #tpu.memory_space<semaphore_mem>>
          %dma_start3A_113 = arith.constant 0 : i32
          %dma_start3A_114 = arith.constant 0 : i32
          %dma_start3A_115 = tpu.memref_slice %arg15[%run_scoped3A, %dma_start3A_113, %dma_start3A_114] : memref<2x80x64xf32, #tpu.memory_space<vmem>> -> memref<1x80x64xf32, #tpu.memory_space<vmem>>
          %dma_start3A_116 = tpu.memref_squeeze %dma_start3A_115 : memref<1x80x64xf32, #tpu.memory_space<vmem>> -> memref<80x64xf32, #tpu.memory_space<vmem>>
          %dma_start3A_117 = arith.constant 0 : i32
          %dma_start3A_118 = tpu.memref_slice %arg14[%add3A_72, %dma_start3A_117] : memref<128x80xi32, #tpu.memory_space<vmem>> -> memref<1x80xi32, #tpu.memory_space<vmem>>
          %dma_start3A_119 = tpu.memref_squeeze %dma_start3A_118 : memref<1x80xi32, #tpu.memory_space<vmem>> -> memref<80xi32, #tpu.memory_space<vmem>>
          %dma_start3A_120 = arith.constant 0 : i32
          %dma_start3A_121 = arith.constant 0 : i32
          %dma_start3A_122 = tpu.memref_slice %arg16[%dma_start3A_120, %dma_start3A_121] : memref<10240x64xf32, #tpu.memory_space<vmem_shared>> -> memref<10240x64xf32, #tpu.memory_space<vmem_shared>>
          tpu.enqueue_indirect_dma source(%dma_start3A_116 : memref<80x64xf32, #tpu.memory_space<vmem>>) target(%dma_start3A_122 : memref<10240x64xf32, #tpu.memory_space<vmem_shared>>) offsets(%dma_start3A_119 : memref<80xi32, #tpu.memory_space<vmem>>) semaphore(%run_scoped3A_112 : memref<!tpu.dma_semaphore, #tpu.memory_space<semaphore_mem>>) {add = true}
          %dma_wait3A_123 = arith.constant 0 : i32
          %dma_wait3A_124 = arith.constant 0 : i32
          %dma_wait3A_125 = tpu.memref_slice %arg15[%run_scoped3A, %dma_wait3A_123, %dma_wait3A_124] : memref<2x80x64xf32, #tpu.memory_space<vmem>> -> memref<1x80x64xf32, #tpu.memory_space<vmem>>
          %dma_wait3A_126 = tpu.memref_squeeze %dma_wait3A_125 : memref<1x80x64xf32, #tpu.memory_space<vmem>> -> memref<80x64xf32, #tpu.memory_space<vmem>>
          %dma_wait3A_127 = arith.constant 0 : i32
          %dma_wait3A_128 = tpu.memref_slice %arg14[%add3A_72, %dma_wait3A_127] : memref<128x80xi32, #tpu.memory_space<vmem>> -> memref<1x80xi32, #tpu.memory_space<vmem>>
          %dma_wait3A_129 = tpu.memref_squeeze %dma_wait3A_128 : memref<1x80xi32, #tpu.memory_space<vmem>> -> memref<80xi32, #tpu.memory_space<vmem>>
          %dma_wait3A_130 = arith.constant 0 : i32
          %dma_wait3A_131 = arith.constant 0 : i32
          %dma_wait3A_132 = tpu.memref_slice %arg16[%dma_wait3A_130, %dma_wait3A_131] : memref<10240x64xf32, #tpu.memory_space<vmem_shared>> -> memref<10240x64xf32, #tpu.memory_space<vmem_shared>>
          tpu.wait_indirect_dma semaphore(%run_scoped3A_112 : memref<!tpu.dma_semaphore, #tpu.memory_space<semaphore_mem>>) src(%dma_wait3A_126 : memref<80x64xf32, #tpu.memory_space<vmem>>) dst(%dma_wait3A_132 : memref<10240x64xf32, #tpu.memory_space<vmem_shared>>)
          tpu.yield
        }) : () -> ()
        %add3A_83 = arith.constant 2 : i32
        %add3A_84 = arith.addi %add3A_72, %add3A_83 : i32
        %lt3A = arith.constant 128 : i32
        %lt3A_85 = arith.cmpi slt, %add3A_84, %lt3A : i32
        %convert_element_type3A_86 = arith.extui %lt3A_85 : i1 to i32
        %cond3A_87 = arith.constant 0 : i32
        %cond3A_88 = arith.cmpi ne, %convert_element_type3A_86, %cond3A_87 : i32
        scf.if %cond3A_88 {
          %add3A_112 = arith.constant 2 : i32
          %add3A_113 = arith.addi %add3A_72, %add3A_112 : i32
          %dma_start3A_114 = arith.constant 0 : i32
          %dma_start3A_115 = arith.constant 0 : i32
          %dma_start3A_116 = arith.constant 0 : i32
          %dma_start3A_117 = tpu.memref_slice %arg15[%dma_start3A_114, %dma_start3A_115, %dma_start3A_116] : memref<2x80x64xf32, #tpu.memory_space<vmem>> -> memref<1x80x64xf32, #tpu.memory_space<vmem>>
          %dma_start3A_118 = tpu.memref_squeeze %dma_start3A_117 : memref<1x80x64xf32, #tpu.memory_space<vmem>> -> memref<80x64xf32, #tpu.memory_space<vmem>>
          %dma_start3A_119 = arith.constant 0 : i32
          %dma_start3A_120 = tpu.memref_slice %arg13[%add3A_113, %dma_start3A_119] : memref<128x80xi32, #tpu.memory_space<vmem>> -> memref<1x80xi32, #tpu.memory_space<vmem>>
          %dma_start3A_121 = tpu.memref_squeeze %dma_start3A_120 : memref<1x80xi32, #tpu.memory_space<vmem>> -> memref<80xi32, #tpu.memory_space<vmem>>
          %dma_start3A_122 = arith.constant 0 : i32
          %dma_start3A_123 = arith.constant 0 : i32
          %dma_start3A_124 = tpu.memref_slice %arg2[%dma_start3A_122, %dma_start3A_123] : memref<10000x64xf32, #tpu.memory_space<hbm>> -> memref<10000x64xf32, #tpu.memory_space<hbm>>
          tpu.enqueue_indirect_dma source(%dma_start3A_124 : memref<10000x64xf32, #tpu.memory_space<hbm>>) target(%dma_start3A_118 : memref<80x64xf32, #tpu.memory_space<vmem>>) offsets(%dma_start3A_121 : memref<80xi32, #tpu.memory_space<vmem>>) semaphore(%arg17 : memref<!tpu.dma_semaphore, #tpu.memory_space<semaphore_mem>>)
        } else {
        }
        %mul3A_89 = arith.constant 2 : i32
        %mul3A_90 = arith.muli %mul3A_89, %scan3A_69 : i32
        %add3A_91 = arith.constant 1 : i32
        %add3A_92 = arith.addi %mul3A_90, %add3A_91 : i32
        %dma_wait3A_93 = arith.constant 1 : i32
        %dma_wait3A_94 = arith.constant 0 : i32
        %dma_wait3A_95 = arith.constant 0 : i32
        %dma_wait3A_96 = tpu.memref_slice %arg15[%dma_wait3A_93, %dma_wait3A_94, %dma_wait3A_95] : memref<2x80x64xf32, #tpu.memory_space<vmem>> -> memref<1x80x64xf32, #tpu.memory_space<vmem>>
        %dma_wait3A_97 = tpu.memref_squeeze %dma_wait3A_96 : memref<1x80x64xf32, #tpu.memory_space<vmem>> -> memref<80x64xf32, #tpu.memory_space<vmem>>
        %dma_wait3A_98 = arith.constant 0 : i32
        %dma_wait3A_99 = tpu.memref_slice %arg13[%add3A_92, %dma_wait3A_98] : memref<128x80xi32, #tpu.memory_space<vmem>> -> memref<1x80xi32, #tpu.memory_space<vmem>>
        %dma_wait3A_100 = tpu.memref_squeeze %dma_wait3A_99 : memref<1x80xi32, #tpu.memory_space<vmem>> -> memref<80xi32, #tpu.memory_space<vmem>>
        %dma_wait3A_101 = arith.constant 0 : i32
        %dma_wait3A_102 = arith.constant 0 : i32
        %dma_wait3A_103 = tpu.memref_slice %arg2[%dma_wait3A_101, %dma_wait3A_102] : memref<10000x64xf32, #tpu.memory_space<hbm>> -> memref<10000x64xf32, #tpu.memory_space<hbm>>
        tpu.wait_indirect_dma semaphore(%arg18 : memref<!tpu.dma_semaphore, #tpu.memory_space<semaphore_mem>>) src(%dma_wait3A_103 : memref<10000x64xf32, #tpu.memory_space<hbm>>) dst(%dma_wait3A_97 : memref<80x64xf32, #tpu.memory_space<vmem>>)
        %run_scoped3A_104 = arith.constant 1 : i32
        "tpu.region"() ({
          %run_scoped3A_112 = tpu.sem_alloc : memref<!tpu.dma_semaphore, #tpu.memory_space<semaphore_mem>>
          %dma_start3A_113 = arith.constant 0 : i32
          %dma_start3A_114 = arith.constant 0 : i32
          %dma_start3A_115 = tpu.memref_slice %arg15[%run_scoped3A_104, %dma_start3A_113, %dma_start3A_114] : memref<2x80x64xf32, #tpu.memory_space<vmem>> -> memref<1x80x64xf32, #tpu.memory_space<vmem>>
          %dma_start3A_116 = tpu.memref_squeeze %dma_start3A_115 : memref<1x80x64xf32, #tpu.memory_space<vmem>> -> memref<80x64xf32, #tpu.memory_space<vmem>>
          %dma_start3A_117 = arith.constant 0 : i32
          %dma_start3A_118 = tpu.memref_slice %arg14[%add3A_92, %dma_start3A_117] : memref<128x80xi32, #tpu.memory_space<vmem>> -> memref<1x80xi32, #tpu.memory_space<vmem>>
          %dma_start3A_119 = tpu.memref_squeeze %dma_start3A_118 : memref<1x80xi32, #tpu.memory_space<vmem>> -> memref<80xi32, #tpu.memory_space<vmem>>
          %dma_start3A_120 = arith.constant 0 : i32
          %dma_start3A_121 = arith.constant 0 : i32
          %dma_start3A_122 = tpu.memref_slice %arg16[%dma_start3A_120, %dma_start3A_121] : memref<10240x64xf32, #tpu.memory_space<vmem_shared>> -> memref<10240x64xf32, #tpu.memory_space<vmem_shared>>
          tpu.enqueue_indirect_dma source(%dma_start3A_116 : memref<80x64xf32, #tpu.memory_space<vmem>>) target(%dma_start3A_122 : memref<10240x64xf32, #tpu.memory_space<vmem_shared>>) offsets(%dma_start3A_119 : memref<80xi32, #tpu.memory_space<vmem>>) semaphore(%run_scoped3A_112 : memref<!tpu.dma_semaphore, #tpu.memory_space<semaphore_mem>>) {add = true}
          %dma_wait3A_123 = arith.constant 0 : i32
          %dma_wait3A_124 = arith.constant 0 : i32
          %dma_wait3A_125 = tpu.memref_slice %arg15[%run_scoped3A_104, %dma_wait3A_123, %dma_wait3A_124] : memref<2x80x64xf32, #tpu.memory_space<vmem>> -> memref<1x80x64xf32, #tpu.memory_space<vmem>>
          %dma_wait3A_126 = tpu.memref_squeeze %dma_wait3A_125 : memref<1x80x64xf32, #tpu.memory_space<vmem>> -> memref<80x64xf32, #tpu.memory_space<vmem>>
          %dma_wait3A_127 = arith.constant 0 : i32
          %dma_wait3A_128 = tpu.memref_slice %arg14[%add3A_92, %dma_wait3A_127] : memref<128x80xi32, #tpu.memory_space<vmem>> -> memref<1x80xi32, #tpu.memory_space<vmem>>
          %dma_wait3A_129 = tpu.memref_squeeze %dma_wait3A_128 : memref<1x80xi32, #tpu.memory_space<vmem>> -> memref<80xi32, #tpu.memory_space<vmem>>
          %dma_wait3A_130 = arith.constant 0 : i32
          %dma_wait3A_131 = arith.constant 0 : i32
          %dma_wait3A_132 = tpu.memref_slice %arg16[%dma_wait3A_130, %dma_wait3A_131] : memref<10240x64xf32, #tpu.memory_space<vmem_shared>> -> memref<10240x64xf32, #tpu.memory_space<vmem_shared>>
          tpu.wait_indirect_dma semaphore(%run_scoped3A_112 : memref<!tpu.dma_semaphore, #tpu.memory_space<semaphore_mem>>) src(%dma_wait3A_126 : memref<80x64xf32, #tpu.memory_space<vmem>>) dst(%dma_wait3A_132 : memref<10240x64xf32, #tpu.memory_space<vmem_shared>>)
          tpu.yield
        }) : () -> ()
        %add3A_105 = arith.constant 2 : i32
        %add3A_106 = arith.addi %add3A_92, %add3A_105 : i32
        %lt3A_107 = arith.constant 128 : i32
        %lt3A_108 = arith.cmpi slt, %add3A_106, %lt3A_107 : i32
        %convert_element_type3A_109 = arith.extui %lt3A_108 : i1 to i32
        %cond3A_110 = arith.constant 0 : i32
        %cond3A_111 = arith.cmpi ne, %convert_element_type3A_109, %cond3A_110 : i32
        scf.if %cond3A_111 {
          %add3A_112 = arith.constant 2 : i32
          %add3A_113 = arith.addi %add3A_92, %add3A_112 : i32
          %dma_start3A_114 = arith.constant 1 : i32
          %dma_start3A_115 = arith.constant 0 : i32
          %dma_start3A_116 = arith.constant 0 : i32
          %dma_start3A_117 = tpu.memref_slice %arg15[%dma_start3A_114, %dma_start3A_115, %dma_start3A_116] : memref<2x80x64xf32, #tpu.memory_space<vmem>> -> memref<1x80x64xf32, #tpu.memory_space<vmem>>
          %dma_start3A_118 = tpu.memref_squeeze %dma_start3A_117 : memref<1x80x64xf32, #tpu.memory_space<vmem>> -> memref<80x64xf32, #tpu.memory_space<vmem>>
          %dma_start3A_119 = arith.constant 0 : i32
          %dma_start3A_120 = tpu.memref_slice %arg13[%add3A_113, %dma_start3A_119] : memref<128x80xi32, #tpu.memory_space<vmem>> -> memref<1x80xi32, #tpu.memory_space<vmem>>
          %dma_start3A_121 = tpu.memref_squeeze %dma_start3A_120 : memref<1x80xi32, #tpu.memory_space<vmem>> -> memref<80xi32, #tpu.memory_space<vmem>>
          %dma_start3A_122 = arith.constant 0 : i32
          %dma_start3A_123 = arith.constant 0 : i32
          %dma_start3A_124 = tpu.memref_slice %arg2[%dma_start3A_122, %dma_start3A_123] : memref<10000x64xf32, #tpu.memory_space<hbm>> -> memref<10000x64xf32, #tpu.memory_space<hbm>>
          tpu.enqueue_indirect_dma source(%dma_start3A_124 : memref<10000x64xf32, #tpu.memory_space<hbm>>) target(%dma_start3A_118 : memref<80x64xf32, #tpu.memory_space<vmem>>) offsets(%dma_start3A_121 : memref<80xi32, #tpu.memory_space<vmem>>) semaphore(%arg18 : memref<!tpu.dma_semaphore, #tpu.memory_space<semaphore_mem>>)
        } else {
        }
      }
      %scan3A_35 = arith.constant 64 : i32
      %barrier3A_36 = arith.constant 0 : index
      tpu.barrier barrier_id(%barrier3A_36)
      "tpu.region"() ({
        %run_scoped3A = tpu.sem_alloc : memref<!tpu.dma_semaphore, #tpu.memory_space<semaphore_mem>>
        %dma_start3A_69 = arith.constant 0 : i32
        %dma_start3A_70 = tpu.memref_slice %arg9[%mul3A_0, %dma_start3A_69] : memref<10240x64xf32, #tpu.memory_space<hbm>> -> memref<640x64xf32, #tpu.memory_space<hbm>>
        %dma_start3A_71 = arith.constant 0 : i32
        %dma_start3A_72 = tpu.memref_slice %arg16[%mul3A_0, %dma_start3A_71] : memref<10240x64xf32, #tpu.memory_space<vmem_shared>> -> memref<640x64xf32, #tpu.memory_space<vmem_shared>>
        tpu.enqueue_dma source(%dma_start3A_72 : memref<640x64xf32, #tpu.memory_space<vmem_shared>>) target(%dma_start3A_70 : memref<640x64xf32, #tpu.memory_space<hbm>>) target_semaphore(%run_scoped3A : memref<!tpu.dma_semaphore, #tpu.memory_space<semaphore_mem>>)
        %dma_wait3A = arith.constant 0 : i32
        %dma_wait3A_73 = tpu.memref_slice %arg9[%mul3A_0, %dma_wait3A] : memref<10240x64xf32, #tpu.memory_space<hbm>> -> memref<640x64xf32, #tpu.memory_space<hbm>>
        %dma_wait3A_74 = arith.constant 0 : i32
        %dma_wait3A_75 = tpu.memref_slice %arg16[%mul3A_0, %dma_wait3A_74] : memref<10240x64xf32, #tpu.memory_space<vmem_shared>> -> memref<640x64xf32, #tpu.memory_space<vmem_shared>>
        tpu.wait_dma2 semaphore(%run_scoped3A : memref<!tpu.dma_semaphore, #tpu.memory_space<semaphore_mem>>) src(%dma_wait3A_75 : memref<640x64xf32, #tpu.memory_space<vmem_shared>>) dst(%dma_wait3A_73 : memref<640x64xf32, #tpu.memory_space<hbm>>)
        tpu.yield
      }) : () -> ()
      "tpu.region"() ({
        %run_scoped3A = tpu.sem_alloc : memref<!tpu.dma_semaphore, #tpu.memory_space<semaphore_mem>>
        %dma_start3A_69 = arith.constant 0 : i32
        %dma_start3A_70 = tpu.memref_slice %arg16[%mul3A_0, %dma_start3A_69] : memref<10240x64xf32, #tpu.memory_space<vmem_shared>> -> memref<640x64xf32, #tpu.memory_space<vmem_shared>>
        tpu.enqueue_dma source(%arg8 : memref<640x64xf32, #tpu.memory_space<hbm>>) target(%dma_start3A_70 : memref<640x64xf32, #tpu.memory_space<vmem_shared>>) target_semaphore(%run_scoped3A : memref<!tpu.dma_semaphore, #tpu.memory_space<semaphore_mem>>)
        %dma_wait3A = arith.constant 0 : i32
        %dma_wait3A_71 = tpu.memref_slice %arg16[%mul3A_0, %dma_wait3A] : memref<10240x64xf32, #tpu.memory_space<vmem_shared>> -> memref<640x64xf32, #tpu.memory_space<vmem_shared>>
        tpu.wait_dma2 semaphore(%run_scoped3A : memref<!tpu.dma_semaphore, #tpu.memory_space<semaphore_mem>>) src(%arg8 : memref<640x64xf32, #tpu.memory_space<hbm>>) dst(%dma_wait3A_71 : memref<640x64xf32, #tpu.memory_space<vmem_shared>>)
        tpu.yield
      }) : () -> ()
      %barrier3A_37 = arith.constant 0 : index
      tpu.barrier barrier_id(%barrier3A_37)
      %dma_start3A_38 = arith.constant 0 : i32
      %dma_start3A_39 = arith.constant 0 : i32
      %dma_start3A_40 = arith.constant 0 : i32
      %dma_start3A_41 = arith.constant 0 : i32
      %dma_start3A_42 = tpu.memref_slice %arg15[%dma_start3A_39, %dma_start3A_40, %dma_start3A_41] : memref<2x80x64xf32, #tpu.memory_space<vmem>> -> memref<1x80x64xf32, #tpu.memory_space<vmem>>
      %dma_start3A_43 = tpu.memref_squeeze %dma_start3A_42 : memref<1x80x64xf32, #tpu.memory_space<vmem>> -> memref<80x64xf32, #tpu.memory_space<vmem>>
      %dma_start3A_44 = arith.constant 0 : i32
      %dma_start3A_45 = tpu.memref_slice %arg13[%dma_start3A_38, %dma_start3A_44] : memref<128x80xi32, #tpu.memory_space<vmem>> -> memref<1x80xi32, #tpu.memory_space<vmem>>
      %dma_start3A_46 = tpu.memref_squeeze %dma_start3A_45 : memref<1x80xi32, #tpu.memory_space<vmem>> -> memref<80xi32, #tpu.memory_space<vmem>>
      %dma_start3A_47 = arith.constant 0 : i32
      %dma_start3A_48 = arith.constant 0 : i32
      %dma_start3A_49 = tpu.memref_slice %arg3[%dma_start3A_47, %dma_start3A_48] : memref<10000x64xf32, #tpu.memory_space<hbm>> -> memref<10000x64xf32, #tpu.memory_space<hbm>>
      tpu.enqueue_indirect_dma source(%dma_start3A_49 : memref<10000x64xf32, #tpu.memory_space<hbm>>) target(%dma_start3A_43 : memref<80x64xf32, #tpu.memory_space<vmem>>) offsets(%dma_start3A_46 : memref<80xi32, #tpu.memory_space<vmem>>) semaphore(%arg17 : memref<!tpu.dma_semaphore, #tpu.memory_space<semaphore_mem>>)
      %dma_start3A_50 = arith.constant 1 : i32
      %dma_start3A_51 = arith.constant 1 : i32
      %dma_start3A_52 = arith.constant 0 : i32
      %dma_start3A_53 = arith.constant 0 : i32
      %dma_start3A_54 = tpu.memref_slice %arg15[%dma_start3A_51, %dma_start3A_52, %dma_start3A_53] : memref<2x80x64xf32, #tpu.memory_space<vmem>> -> memref<1x80x64xf32, #tpu.memory_space<vmem>>
      %dma_start3A_55 = tpu.memref_squeeze %dma_start3A_54 : memref<1x80x64xf32, #tpu.memory_space<vmem>> -> memref<80x64xf32, #tpu.memory_space<vmem>>
      %dma_start3A_56 = arith.constant 0 : i32
      %dma_start3A_57 = tpu.memref_slice %arg13[%dma_start3A_50, %dma_start3A_56] : memref<128x80xi32, #tpu.memory_space<vmem>> -> memref<1x80xi32, #tpu.memory_space<vmem>>
      %dma_start3A_58 = tpu.memref_squeeze %dma_start3A_57 : memref<1x80xi32, #tpu.memory_space<vmem>> -> memref<80xi32, #tpu.memory_space<vmem>>
      %dma_start3A_59 = arith.constant 0 : i32
      %dma_start3A_60 = arith.constant 0 : i32
      %dma_start3A_61 = tpu.memref_slice %arg3[%dma_start3A_59, %dma_start3A_60] : memref<10000x64xf32, #tpu.memory_space<hbm>> -> memref<10000x64xf32, #tpu.memory_space<hbm>>
      tpu.enqueue_indirect_dma source(%dma_start3A_61 : memref<10000x64xf32, #tpu.memory_space<hbm>>) target(%dma_start3A_55 : memref<80x64xf32, #tpu.memory_space<vmem>>) offsets(%dma_start3A_58 : memref<80xi32, #tpu.memory_space<vmem>>) semaphore(%arg18 : memref<!tpu.dma_semaphore, #tpu.memory_space<semaphore_mem>>)
      %scan3A_62 = arith.constant 0 : i32
      %scan3A_63 = arith.constant 0 : i32
      %scan3A_64 = arith.constant 64 : i32
      %scan3A_65 = arith.addi %scan3A_63, %scan3A_64 : i32
      %scan3A_66 = arith.constant 1 : i32
      scf.for %scan3A_69 = %scan3A_63 to %scan3A_65 step %scan3A_66  : i32 {
        %mul3A_70 = arith.constant 2 : i32
        %mul3A_71 = arith.muli %mul3A_70, %scan3A_69 : i32
        %add3A = arith.constant 0 : i32
        %add3A_72 = arith.addi %mul3A_71, %add3A : i32
        %dma_wait3A = arith.constant 0 : i32
        %dma_wait3A_73 = arith.constant 0 : i32
        %dma_wait3A_74 = arith.constant 0 : i32
        %dma_wait3A_75 = tpu.memref_slice %arg15[%dma_wait3A, %dma_wait3A_73, %dma_wait3A_74] : memref<2x80x64xf32, #tpu.memory_space<vmem>> -> memref<1x80x64xf32, #tpu.memory_space<vmem>>
        %dma_wait3A_76 = tpu.memref_squeeze %dma_wait3A_75 : memref<1x80x64xf32, #tpu.memory_space<vmem>> -> memref<80x64xf32, #tpu.memory_space<vmem>>
        %dma_wait3A_77 = arith.constant 0 : i32
        %dma_wait3A_78 = tpu.memref_slice %arg13[%add3A_72, %dma_wait3A_77] : memref<128x80xi32, #tpu.memory_space<vmem>> -> memref<1x80xi32, #tpu.memory_space<vmem>>
        %dma_wait3A_79 = tpu.memref_squeeze %dma_wait3A_78 : memref<1x80xi32, #tpu.memory_space<vmem>> -> memref<80xi32, #tpu.memory_space<vmem>>
        %dma_wait3A_80 = arith.constant 0 : i32
        %dma_wait3A_81 = arith.constant 0 : i32
        %dma_wait3A_82 = tpu.memref_slice %arg3[%dma_wait3A_80, %dma_wait3A_81] : memref<10000x64xf32, #tpu.memory_space<hbm>> -> memref<10000x64xf32, #tpu.memory_space<hbm>>
        tpu.wait_indirect_dma semaphore(%arg17 : memref<!tpu.dma_semaphore, #tpu.memory_space<semaphore_mem>>) src(%dma_wait3A_82 : memref<10000x64xf32, #tpu.memory_space<hbm>>) dst(%dma_wait3A_76 : memref<80x64xf32, #tpu.memory_space<vmem>>)
        %run_scoped3A = arith.constant 0 : i32
        "tpu.region"() ({
          %run_scoped3A_112 = tpu.sem_alloc : memref<!tpu.dma_semaphore, #tpu.memory_space<semaphore_mem>>
          %dma_start3A_113 = arith.constant 0 : i32
          %dma_start3A_114 = arith.constant 0 : i32
          %dma_start3A_115 = tpu.memref_slice %arg15[%run_scoped3A, %dma_start3A_113, %dma_start3A_114] : memref<2x80x64xf32, #tpu.memory_space<vmem>> -> memref<1x80x64xf32, #tpu.memory_space<vmem>>
          %dma_start3A_116 = tpu.memref_squeeze %dma_start3A_115 : memref<1x80x64xf32, #tpu.memory_space<vmem>> -> memref<80x64xf32, #tpu.memory_space<vmem>>
          %dma_start3A_117 = arith.constant 0 : i32
          %dma_start3A_118 = tpu.memref_slice %arg14[%add3A_72, %dma_start3A_117] : memref<128x80xi32, #tpu.memory_space<vmem>> -> memref<1x80xi32, #tpu.memory_space<vmem>>
          %dma_start3A_119 = tpu.memref_squeeze %dma_start3A_118 : memref<1x80xi32, #tpu.memory_space<vmem>> -> memref<80xi32, #tpu.memory_space<vmem>>
          %dma_start3A_120 = arith.constant 0 : i32
          %dma_start3A_121 = arith.constant 0 : i32
          %dma_start3A_122 = tpu.memref_slice %arg16[%dma_start3A_120, %dma_start3A_121] : memref<10240x64xf32, #tpu.memory_space<vmem_shared>> -> memref<10240x64xf32, #tpu.memory_space<vmem_shared>>
          tpu.enqueue_indirect_dma source(%dma_start3A_116 : memref<80x64xf32, #tpu.memory_space<vmem>>) target(%dma_start3A_122 : memref<10240x64xf32, #tpu.memory_space<vmem_shared>>) offsets(%dma_start3A_119 : memref<80xi32, #tpu.memory_space<vmem>>) semaphore(%run_scoped3A_112 : memref<!tpu.dma_semaphore, #tpu.memory_space<semaphore_mem>>) {add = true}
          %dma_wait3A_123 = arith.constant 0 : i32
          %dma_wait3A_124 = arith.constant 0 : i32
          %dma_wait3A_125 = tpu.memref_slice %arg15[%run_scoped3A, %dma_wait3A_123, %dma_wait3A_124] : memref<2x80x64xf32, #tpu.memory_space<vmem>> -> memref<1x80x64xf32, #tpu.memory_space<vmem>>
          %dma_wait3A_126 = tpu.memref_squeeze %dma_wait3A_125 : memref<1x80x64xf32, #tpu.memory_space<vmem>> -> memref<80x64xf32, #tpu.memory_space<vmem>>
          %dma_wait3A_127 = arith.constant 0 : i32
          %dma_wait3A_128 = tpu.memref_slice %arg14[%add3A_72, %dma_wait3A_127] : memref<128x80xi32, #tpu.memory_space<vmem>> -> memref<1x80xi32, #tpu.memory_space<vmem>>
          %dma_wait3A_129 = tpu.memref_squeeze %dma_wait3A_128 : memref<1x80xi32, #tpu.memory_space<vmem>> -> memref<80xi32, #tpu.memory_space<vmem>>
          %dma_wait3A_130 = arith.constant 0 : i32
          %dma_wait3A_131 = arith.constant 0 : i32
          %dma_wait3A_132 = tpu.memref_slice %arg16[%dma_wait3A_130, %dma_wait3A_131] : memref<10240x64xf32, #tpu.memory_space<vmem_shared>> -> memref<10240x64xf32, #tpu.memory_space<vmem_shared>>
          tpu.wait_indirect_dma semaphore(%run_scoped3A_112 : memref<!tpu.dma_semaphore, #tpu.memory_space<semaphore_mem>>) src(%dma_wait3A_126 : memref<80x64xf32, #tpu.memory_space<vmem>>) dst(%dma_wait3A_132 : memref<10240x64xf32, #tpu.memory_space<vmem_shared>>)
          tpu.yield
        }) : () -> ()
        %add3A_83 = arith.constant 2 : i32
        %add3A_84 = arith.addi %add3A_72, %add3A_83 : i32
        %lt3A = arith.constant 128 : i32
        %lt3A_85 = arith.cmpi slt, %add3A_84, %lt3A : i32
        %convert_element_type3A_86 = arith.extui %lt3A_85 : i1 to i32
        %cond3A_87 = arith.constant 0 : i32
        %cond3A_88 = arith.cmpi ne, %convert_element_type3A_86, %cond3A_87 : i32
        scf.if %cond3A_88 {
          %add3A_112 = arith.constant 2 : i32
          %add3A_113 = arith.addi %add3A_72, %add3A_112 : i32
          %dma_start3A_114 = arith.constant 0 : i32
          %dma_start3A_115 = arith.constant 0 : i32
          %dma_start3A_116 = arith.constant 0 : i32
          %dma_start3A_117 = tpu.memref_slice %arg15[%dma_start3A_114, %dma_start3A_115, %dma_start3A_116] : memref<2x80x64xf32, #tpu.memory_space<vmem>> -> memref<1x80x64xf32, #tpu.memory_space<vmem>>
          %dma_start3A_118 = tpu.memref_squeeze %dma_start3A_117 : memref<1x80x64xf32, #tpu.memory_space<vmem>> -> memref<80x64xf32, #tpu.memory_space<vmem>>
          %dma_start3A_119 = arith.constant 0 : i32
          %dma_start3A_120 = tpu.memref_slice %arg13[%add3A_113, %dma_start3A_119] : memref<128x80xi32, #tpu.memory_space<vmem>> -> memref<1x80xi32, #tpu.memory_space<vmem>>
          %dma_start3A_121 = tpu.memref_squeeze %dma_start3A_120 : memref<1x80xi32, #tpu.memory_space<vmem>> -> memref<80xi32, #tpu.memory_space<vmem>>
          %dma_start3A_122 = arith.constant 0 : i32
          %dma_start3A_123 = arith.constant 0 : i32
          %dma_start3A_124 = tpu.memref_slice %arg3[%dma_start3A_122, %dma_start3A_123] : memref<10000x64xf32, #tpu.memory_space<hbm>> -> memref<10000x64xf32, #tpu.memory_space<hbm>>
          tpu.enqueue_indirect_dma source(%dma_start3A_124 : memref<10000x64xf32, #tpu.memory_space<hbm>>) target(%dma_start3A_118 : memref<80x64xf32, #tpu.memory_space<vmem>>) offsets(%dma_start3A_121 : memref<80xi32, #tpu.memory_space<vmem>>) semaphore(%arg17 : memref<!tpu.dma_semaphore, #tpu.memory_space<semaphore_mem>>)
        } else {
        }
        %mul3A_89 = arith.constant 2 : i32
        %mul3A_90 = arith.muli %mul3A_89, %scan3A_69 : i32
        %add3A_91 = arith.constant 1 : i32
        %add3A_92 = arith.addi %mul3A_90, %add3A_91 : i32
        %dma_wait3A_93 = arith.constant 1 : i32
        %dma_wait3A_94 = arith.constant 0 : i32
        %dma_wait3A_95 = arith.constant 0 : i32
        %dma_wait3A_96 = tpu.memref_slice %arg15[%dma_wait3A_93, %dma_wait3A_94, %dma_wait3A_95] : memref<2x80x64xf32, #tpu.memory_space<vmem>> -> memref<1x80x64xf32, #tpu.memory_space<vmem>>
        %dma_wait3A_97 = tpu.memref_squeeze %dma_wait3A_96 : memref<1x80x64xf32, #tpu.memory_space<vmem>> -> memref<80x64xf32, #tpu.memory_space<vmem>>
        %dma_wait3A_98 = arith.constant 0 : i32
        %dma_wait3A_99 = tpu.memref_slice %arg13[%add3A_92, %dma_wait3A_98] : memref<128x80xi32, #tpu.memory_space<vmem>> -> memref<1x80xi32, #tpu.memory_space<vmem>>
        %dma_wait3A_100 = tpu.memref_squeeze %dma_wait3A_99 : memref<1x80xi32, #tpu.memory_space<vmem>> -> memref<80xi32, #tpu.memory_space<vmem>>
        %dma_wait3A_101 = arith.constant 0 : i32
        %dma_wait3A_102 = arith.constant 0 : i32
        %dma_wait3A_103 = tpu.memref_slice %arg3[%dma_wait3A_101, %dma_wait3A_102] : memref<10000x64xf32, #tpu.memory_space<hbm>> -> memref<10000x64xf32, #tpu.memory_space<hbm>>
        tpu.wait_indirect_dma semaphore(%arg18 : memref<!tpu.dma_semaphore, #tpu.memory_space<semaphore_mem>>) src(%dma_wait3A_103 : memref<10000x64xf32, #tpu.memory_space<hbm>>) dst(%dma_wait3A_97 : memref<80x64xf32, #tpu.memory_space<vmem>>)
        %run_scoped3A_104 = arith.constant 1 : i32
        "tpu.region"() ({
          %run_scoped3A_112 = tpu.sem_alloc : memref<!tpu.dma_semaphore, #tpu.memory_space<semaphore_mem>>
          %dma_start3A_113 = arith.constant 0 : i32
          %dma_start3A_114 = arith.constant 0 : i32
          %dma_start3A_115 = tpu.memref_slice %arg15[%run_scoped3A_104, %dma_start3A_113, %dma_start3A_114] : memref<2x80x64xf32, #tpu.memory_space<vmem>> -> memref<1x80x64xf32, #tpu.memory_space<vmem>>
          %dma_start3A_116 = tpu.memref_squeeze %dma_start3A_115 : memref<1x80x64xf32, #tpu.memory_space<vmem>> -> memref<80x64xf32, #tpu.memory_space<vmem>>
          %dma_start3A_117 = arith.constant 0 : i32
          %dma_start3A_118 = tpu.memref_slice %arg14[%add3A_92, %dma_start3A_117] : memref<128x80xi32, #tpu.memory_space<vmem>> -> memref<1x80xi32, #tpu.memory_space<vmem>>
          %dma_start3A_119 = tpu.memref_squeeze %dma_start3A_118 : memref<1x80xi32, #tpu.memory_space<vmem>> -> memref<80xi32, #tpu.memory_space<vmem>>
          %dma_start3A_120 = arith.constant 0 : i32
          %dma_start3A_121 = arith.constant 0 : i32
          %dma_start3A_122 = tpu.memref_slice %arg16[%dma_start3A_120, %dma_start3A_121] : memref<10240x64xf32, #tpu.memory_space<vmem_shared>> -> memref<10240x64xf32, #tpu.memory_space<vmem_shared>>
          tpu.enqueue_indirect_dma source(%dma_start3A_116 : memref<80x64xf32, #tpu.memory_space<vmem>>) target(%dma_start3A_122 : memref<10240x64xf32, #tpu.memory_space<vmem_shared>>) offsets(%dma_start3A_119 : memref<80xi32, #tpu.memory_space<vmem>>) semaphore(%run_scoped3A_112 : memref<!tpu.dma_semaphore, #tpu.memory_space<semaphore_mem>>) {add = true}
          %dma_wait3A_123 = arith.constant 0 : i32
          %dma_wait3A_124 = arith.constant 0 : i32
          %dma_wait3A_125 = tpu.memref_slice %arg15[%run_scoped3A_104, %dma_wait3A_123, %dma_wait3A_124] : memref<2x80x64xf32, #tpu.memory_space<vmem>> -> memref<1x80x64xf32, #tpu.memory_space<vmem>>
          %dma_wait3A_126 = tpu.memref_squeeze %dma_wait3A_125 : memref<1x80x64xf32, #tpu.memory_space<vmem>> -> memref<80x64xf32, #tpu.memory_space<vmem>>
          %dma_wait3A_127 = arith.constant 0 : i32
          %dma_wait3A_128 = tpu.memref_slice %arg14[%add3A_92, %dma_wait3A_127] : memref<128x80xi32, #tpu.memory_space<vmem>> -> memref<1x80xi32, #tpu.memory_space<vmem>>
          %dma_wait3A_129 = tpu.memref_squeeze %dma_wait3A_128 : memref<1x80xi32, #tpu.memory_space<vmem>> -> memref<80xi32, #tpu.memory_space<vmem>>
          %dma_wait3A_130 = arith.constant 0 : i32
          %dma_wait3A_131 = arith.constant 0 : i32
          %dma_wait3A_132 = tpu.memref_slice %arg16[%dma_wait3A_130, %dma_wait3A_131] : memref<10240x64xf32, #tpu.memory_space<vmem_shared>> -> memref<10240x64xf32, #tpu.memory_space<vmem_shared>>
          tpu.wait_indirect_dma semaphore(%run_scoped3A_112 : memref<!tpu.dma_semaphore, #tpu.memory_space<semaphore_mem>>) src(%dma_wait3A_126 : memref<80x64xf32, #tpu.memory_space<vmem>>) dst(%dma_wait3A_132 : memref<10240x64xf32, #tpu.memory_space<vmem_shared>>)
          tpu.yield
        }) : () -> ()
        %add3A_105 = arith.constant 2 : i32
        %add3A_106 = arith.addi %add3A_92, %add3A_105 : i32
        %lt3A_107 = arith.constant 128 : i32
        %lt3A_108 = arith.cmpi slt, %add3A_106, %lt3A_107 : i32
        %convert_element_type3A_109 = arith.extui %lt3A_108 : i1 to i32
        %cond3A_110 = arith.constant 0 : i32
        %cond3A_111 = arith.cmpi ne, %convert_element_type3A_109, %cond3A_110 : i32
        scf.if %cond3A_111 {
          %add3A_112 = arith.constant 2 : i32
          %add3A_113 = arith.addi %add3A_92, %add3A_112 : i32
          %dma_start3A_114 = arith.constant 1 : i32
          %dma_start3A_115 = arith.constant 0 : i32
          %dma_start3A_116 = arith.constant 0 : i32
          %dma_start3A_117 = tpu.memref_slice %arg15[%dma_start3A_114, %dma_start3A_115, %dma_start3A_116] : memref<2x80x64xf32, #tpu.memory_space<vmem>> -> memref<1x80x64xf32, #tpu.memory_space<vmem>>
          %dma_start3A_118 = tpu.memref_squeeze %dma_start3A_117 : memref<1x80x64xf32, #tpu.memory_space<vmem>> -> memref<80x64xf32, #tpu.memory_space<vmem>>
          %dma_start3A_119 = arith.constant 0 : i32
          %dma_start3A_120 = tpu.memref_slice %arg13[%add3A_113, %dma_start3A_119] : memref<128x80xi32, #tpu.memory_space<vmem>> -> memref<1x80xi32, #tpu.memory_space<vmem>>
          %dma_start3A_121 = tpu.memref_squeeze %dma_start3A_120 : memref<1x80xi32, #tpu.memory_space<vmem>> -> memref<80xi32, #tpu.memory_space<vmem>>
          %dma_start3A_122 = arith.constant 0 : i32
          %dma_start3A_123 = arith.constant 0 : i32
          %dma_start3A_124 = tpu.memref_slice %arg3[%dma_start3A_122, %dma_start3A_123] : memref<10000x64xf32, #tpu.memory_space<hbm>> -> memref<10000x64xf32, #tpu.memory_space<hbm>>
          tpu.enqueue_indirect_dma source(%dma_start3A_124 : memref<10000x64xf32, #tpu.memory_space<hbm>>) target(%dma_start3A_118 : memref<80x64xf32, #tpu.memory_space<vmem>>) offsets(%dma_start3A_121 : memref<80xi32, #tpu.memory_space<vmem>>) semaphore(%arg18 : memref<!tpu.dma_semaphore, #tpu.memory_space<semaphore_mem>>)
        } else {
        }
      }
      %scan3A_67 = arith.constant 64 : i32
      %barrier3A_68 = arith.constant 0 : index
      tpu.barrier barrier_id(%barrier3A_68)
      "tpu.region"() ({
        %run_scoped3A = tpu.sem_alloc : memref<!tpu.dma_semaphore, #tpu.memory_space<semaphore_mem>>
        %dma_start3A_69 = arith.constant 0 : i32
        %dma_start3A_70 = tpu.memref_slice %arg10[%mul3A_0, %dma_start3A_69] : memref<10240x64xf32, #tpu.memory_space<hbm>> -> memref<640x64xf32, #tpu.memory_space<hbm>>
        %dma_start3A_71 = arith.constant 0 : i32
        %dma_start3A_72 = tpu.memref_slice %arg16[%mul3A_0, %dma_start3A_71] : memref<10240x64xf32, #tpu.memory_space<vmem_shared>> -> memref<640x64xf32, #tpu.memory_space<vmem_shared>>
        tpu.enqueue_dma source(%dma_start3A_72 : memref<640x64xf32, #tpu.memory_space<vmem_shared>>) target(%dma_start3A_70 : memref<640x64xf32, #tpu.memory_space<hbm>>) target_semaphore(%run_scoped3A : memref<!tpu.dma_semaphore, #tpu.memory_space<semaphore_mem>>)
        %dma_wait3A = arith.constant 0 : i32
        %dma_wait3A_73 = tpu.memref_slice %arg10[%mul3A_0, %dma_wait3A] : memref<10240x64xf32, #tpu.memory_space<hbm>> -> memref<640x64xf32, #tpu.memory_space<hbm>>
        %dma_wait3A_74 = arith.constant 0 : i32
        %dma_wait3A_75 = tpu.memref_slice %arg16[%mul3A_0, %dma_wait3A_74] : memref<10240x64xf32, #tpu.memory_space<vmem_shared>> -> memref<640x64xf32, #tpu.memory_space<vmem_shared>>
        tpu.wait_dma2 semaphore(%run_scoped3A : memref<!tpu.dma_semaphore, #tpu.memory_space<semaphore_mem>>) src(%dma_wait3A_75 : memref<640x64xf32, #tpu.memory_space<vmem_shared>>) dst(%dma_wait3A_73 : memref<640x64xf32, #tpu.memory_space<hbm>>)
        tpu.yield
      }) : () -> ()
    } else {
    }
    %eq3A_3 = arith.constant 1 : i32
    %eq3A_4 = arith.cmpi eq, %arg0, %eq3A_3 : i32
    %convert_element_type3A_5 = arith.extui %eq3A_4 : i1 to i32
    %cond3A_6 = arith.constant 0 : i32
    %cond3A_7 = arith.cmpi ne, %convert_element_type3A_5, %cond3A_6 : i32
    scf.if %cond3A_7 {
      "tpu.region"() ({
        %run_scoped3A = tpu.sem_alloc : memref<!tpu.dma_semaphore, #tpu.memory_space<semaphore_mem>>
        %dma_start3A_69 = arith.constant 0 : i32
        %dma_start3A_70 = tpu.memref_slice %arg16[%mul3A_0, %dma_start3A_69] : memref<10240x64xf32, #tpu.memory_space<vmem_shared>> -> memref<640x64xf32, #tpu.memory_space<vmem_shared>>
        tpu.enqueue_dma source(%arg8 : memref<640x64xf32, #tpu.memory_space<hbm>>) target(%dma_start3A_70 : memref<640x64xf32, #tpu.memory_space<vmem_shared>>) target_semaphore(%run_scoped3A : memref<!tpu.dma_semaphore, #tpu.memory_space<semaphore_mem>>)
        %dma_wait3A = arith.constant 0 : i32
        %dma_wait3A_71 = tpu.memref_slice %arg16[%mul3A_0, %dma_wait3A] : memref<10240x64xf32, #tpu.memory_space<vmem_shared>> -> memref<640x64xf32, #tpu.memory_space<vmem_shared>>
        tpu.wait_dma2 semaphore(%run_scoped3A : memref<!tpu.dma_semaphore, #tpu.memory_space<semaphore_mem>>) src(%arg8 : memref<640x64xf32, #tpu.memory_space<hbm>>) dst(%dma_wait3A_71 : memref<640x64xf32, #tpu.memory_space<vmem_shared>>)
        tpu.yield
      }) : () -> ()
      %barrier3A = arith.constant 0 : index
      tpu.barrier barrier_id(%barrier3A)
      %dma_start3A = arith.constant 0 : i32
      %dma_start3A_8 = arith.constant 0 : i32
      %dma_start3A_9 = arith.constant 0 : i32
      %dma_start3A_10 = arith.constant 0 : i32
      %dma_start3A_11 = tpu.memref_slice %arg15[%dma_start3A_8, %dma_start3A_9, %dma_start3A_10] : memref<2x80x64xf32, #tpu.memory_space<vmem>> -> memref<1x80x64xf32, #tpu.memory_space<vmem>>
      %dma_start3A_12 = tpu.memref_squeeze %dma_start3A_11 : memref<1x80x64xf32, #tpu.memory_space<vmem>> -> memref<80x64xf32, #tpu.memory_space<vmem>>
      %dma_start3A_13 = arith.constant 0 : i32
      %dma_start3A_14 = tpu.memref_slice %arg13[%dma_start3A, %dma_start3A_13] : memref<128x80xi32, #tpu.memory_space<vmem>> -> memref<1x80xi32, #tpu.memory_space<vmem>>
      %dma_start3A_15 = tpu.memref_squeeze %dma_start3A_14 : memref<1x80xi32, #tpu.memory_space<vmem>> -> memref<80xi32, #tpu.memory_space<vmem>>
      %dma_start3A_16 = arith.constant 0 : i32
      %dma_start3A_17 = arith.constant 0 : i32
      %dma_start3A_18 = tpu.memref_slice %arg4[%dma_start3A_16, %dma_start3A_17] : memref<10000x64xf32, #tpu.memory_space<hbm>> -> memref<10000x64xf32, #tpu.memory_space<hbm>>
      tpu.enqueue_indirect_dma source(%dma_start3A_18 : memref<10000x64xf32, #tpu.memory_space<hbm>>) target(%dma_start3A_12 : memref<80x64xf32, #tpu.memory_space<vmem>>) offsets(%dma_start3A_15 : memref<80xi32, #tpu.memory_space<vmem>>) semaphore(%arg17 : memref<!tpu.dma_semaphore, #tpu.memory_space<semaphore_mem>>)
      %dma_start3A_19 = arith.constant 1 : i32
      %dma_start3A_20 = arith.constant 1 : i32
      %dma_start3A_21 = arith.constant 0 : i32
      %dma_start3A_22 = arith.constant 0 : i32
      %dma_start3A_23 = tpu.memref_slice %arg15[%dma_start3A_20, %dma_start3A_21, %dma_start3A_22] : memref<2x80x64xf32, #tpu.memory_space<vmem>> -> memref<1x80x64xf32, #tpu.memory_space<vmem>>
      %dma_start3A_24 = tpu.memref_squeeze %dma_start3A_23 : memref<1x80x64xf32, #tpu.memory_space<vmem>> -> memref<80x64xf32, #tpu.memory_space<vmem>>
      %dma_start3A_25 = arith.constant 0 : i32
      %dma_start3A_26 = tpu.memref_slice %arg13[%dma_start3A_19, %dma_start3A_25] : memref<128x80xi32, #tpu.memory_space<vmem>> -> memref<1x80xi32, #tpu.memory_space<vmem>>
      %dma_start3A_27 = tpu.memref_squeeze %dma_start3A_26 : memref<1x80xi32, #tpu.memory_space<vmem>> -> memref<80xi32, #tpu.memory_space<vmem>>
      %dma_start3A_28 = arith.constant 0 : i32
      %dma_start3A_29 = arith.constant 0 : i32
      %dma_start3A_30 = tpu.memref_slice %arg4[%dma_start3A_28, %dma_start3A_29] : memref<10000x64xf32, #tpu.memory_space<hbm>> -> memref<10000x64xf32, #tpu.memory_space<hbm>>
      tpu.enqueue_indirect_dma source(%dma_start3A_30 : memref<10000x64xf32, #tpu.memory_space<hbm>>) target(%dma_start3A_24 : memref<80x64xf32, #tpu.memory_space<vmem>>) offsets(%dma_start3A_27 : memref<80xi32, #tpu.memory_space<vmem>>) semaphore(%arg18 : memref<!tpu.dma_semaphore, #tpu.memory_space<semaphore_mem>>)
      %scan3A = arith.constant 0 : i32
      %scan3A_31 = arith.constant 0 : i32
      %scan3A_32 = arith.constant 64 : i32
      %scan3A_33 = arith.addi %scan3A_31, %scan3A_32 : i32
      %scan3A_34 = arith.constant 1 : i32
      scf.for %scan3A_69 = %scan3A_31 to %scan3A_33 step %scan3A_34  : i32 {
        %mul3A_70 = arith.constant 2 : i32
        %mul3A_71 = arith.muli %mul3A_70, %scan3A_69 : i32
        %add3A = arith.constant 0 : i32
        %add3A_72 = arith.addi %mul3A_71, %add3A : i32
        %dma_wait3A = arith.constant 0 : i32
        %dma_wait3A_73 = arith.constant 0 : i32
        %dma_wait3A_74 = arith.constant 0 : i32
        %dma_wait3A_75 = tpu.memref_slice %arg15[%dma_wait3A, %dma_wait3A_73, %dma_wait3A_74] : memref<2x80x64xf32, #tpu.memory_space<vmem>> -> memref<1x80x64xf32, #tpu.memory_space<vmem>>
        %dma_wait3A_76 = tpu.memref_squeeze %dma_wait3A_75 : memref<1x80x64xf32, #tpu.memory_space<vmem>> -> memref<80x64xf32, #tpu.memory_space<vmem>>
        %dma_wait3A_77 = arith.constant 0 : i32
        %dma_wait3A_78 = tpu.memref_slice %arg13[%add3A_72, %dma_wait3A_77] : memref<128x80xi32, #tpu.memory_space<vmem>> -> memref<1x80xi32, #tpu.memory_space<vmem>>
        %dma_wait3A_79 = tpu.memref_squeeze %dma_wait3A_78 : memref<1x80xi32, #tpu.memory_space<vmem>> -> memref<80xi32, #tpu.memory_space<vmem>>
        %dma_wait3A_80 = arith.constant 0 : i32
        %dma_wait3A_81 = arith.constant 0 : i32
        %dma_wait3A_82 = tpu.memref_slice %arg4[%dma_wait3A_80, %dma_wait3A_81] : memref<10000x64xf32, #tpu.memory_space<hbm>> -> memref<10000x64xf32, #tpu.memory_space<hbm>>
        tpu.wait_indirect_dma semaphore(%arg17 : memref<!tpu.dma_semaphore, #tpu.memory_space<semaphore_mem>>) src(%dma_wait3A_82 : memref<10000x64xf32, #tpu.memory_space<hbm>>) dst(%dma_wait3A_76 : memref<80x64xf32, #tpu.memory_space<vmem>>)
        %run_scoped3A = arith.constant 0 : i32
        "tpu.region"() ({
          %run_scoped3A_112 = tpu.sem_alloc : memref<!tpu.dma_semaphore, #tpu.memory_space<semaphore_mem>>
          %dma_start3A_113 = arith.constant 0 : i32
          %dma_start3A_114 = arith.constant 0 : i32
          %dma_start3A_115 = tpu.memref_slice %arg15[%run_scoped3A, %dma_start3A_113, %dma_start3A_114] : memref<2x80x64xf32, #tpu.memory_space<vmem>> -> memref<1x80x64xf32, #tpu.memory_space<vmem>>
          %dma_start3A_116 = tpu.memref_squeeze %dma_start3A_115 : memref<1x80x64xf32, #tpu.memory_space<vmem>> -> memref<80x64xf32, #tpu.memory_space<vmem>>
          %dma_start3A_117 = arith.constant 0 : i32
          %dma_start3A_118 = tpu.memref_slice %arg14[%add3A_72, %dma_start3A_117] : memref<128x80xi32, #tpu.memory_space<vmem>> -> memref<1x80xi32, #tpu.memory_space<vmem>>
          %dma_start3A_119 = tpu.memref_squeeze %dma_start3A_118 : memref<1x80xi32, #tpu.memory_space<vmem>> -> memref<80xi32, #tpu.memory_space<vmem>>
          %dma_start3A_120 = arith.constant 0 : i32
          %dma_start3A_121 = arith.constant 0 : i32
          %dma_start3A_122 = tpu.memref_slice %arg16[%dma_start3A_120, %dma_start3A_121] : memref<10240x64xf32, #tpu.memory_space<vmem_shared>> -> memref<10240x64xf32, #tpu.memory_space<vmem_shared>>
          tpu.enqueue_indirect_dma source(%dma_start3A_116 : memref<80x64xf32, #tpu.memory_space<vmem>>) target(%dma_start3A_122 : memref<10240x64xf32, #tpu.memory_space<vmem_shared>>) offsets(%dma_start3A_119 : memref<80xi32, #tpu.memory_space<vmem>>) semaphore(%run_scoped3A_112 : memref<!tpu.dma_semaphore, #tpu.memory_space<semaphore_mem>>) {add = true}
          %dma_wait3A_123 = arith.constant 0 : i32
          %dma_wait3A_124 = arith.constant 0 : i32
          %dma_wait3A_125 = tpu.memref_slice %arg15[%run_scoped3A, %dma_wait3A_123, %dma_wait3A_124] : memref<2x80x64xf32, #tpu.memory_space<vmem>> -> memref<1x80x64xf32, #tpu.memory_space<vmem>>
          %dma_wait3A_126 = tpu.memref_squeeze %dma_wait3A_125 : memref<1x80x64xf32, #tpu.memory_space<vmem>> -> memref<80x64xf32, #tpu.memory_space<vmem>>
          %dma_wait3A_127 = arith.constant 0 : i32
          %dma_wait3A_128 = tpu.memref_slice %arg14[%add3A_72, %dma_wait3A_127] : memref<128x80xi32, #tpu.memory_space<vmem>> -> memref<1x80xi32, #tpu.memory_space<vmem>>
          %dma_wait3A_129 = tpu.memref_squeeze %dma_wait3A_128 : memref<1x80xi32, #tpu.memory_space<vmem>> -> memref<80xi32, #tpu.memory_space<vmem>>
          %dma_wait3A_130 = arith.constant 0 : i32
          %dma_wait3A_131 = arith.constant 0 : i32
          %dma_wait3A_132 = tpu.memref_slice %arg16[%dma_wait3A_130, %dma_wait3A_131] : memref<10240x64xf32, #tpu.memory_space<vmem_shared>> -> memref<10240x64xf32, #tpu.memory_space<vmem_shared>>
          tpu.wait_indirect_dma semaphore(%run_scoped3A_112 : memref<!tpu.dma_semaphore, #tpu.memory_space<semaphore_mem>>) src(%dma_wait3A_126 : memref<80x64xf32, #tpu.memory_space<vmem>>) dst(%dma_wait3A_132 : memref<10240x64xf32, #tpu.memory_space<vmem_shared>>)
          tpu.yield
        }) : () -> ()
        %add3A_83 = arith.constant 2 : i32
        %add3A_84 = arith.addi %add3A_72, %add3A_83 : i32
        %lt3A = arith.constant 128 : i32
        %lt3A_85 = arith.cmpi slt, %add3A_84, %lt3A : i32
        %convert_element_type3A_86 = arith.extui %lt3A_85 : i1 to i32
        %cond3A_87 = arith.constant 0 : i32
        %cond3A_88 = arith.cmpi ne, %convert_element_type3A_86, %cond3A_87 : i32
        scf.if %cond3A_88 {
          %add3A_112 = arith.constant 2 : i32
          %add3A_113 = arith.addi %add3A_72, %add3A_112 : i32
          %dma_start3A_114 = arith.constant 0 : i32
          %dma_start3A_115 = arith.constant 0 : i32
          %dma_start3A_116 = arith.constant 0 : i32
          %dma_start3A_117 = tpu.memref_slice %arg15[%dma_start3A_114, %dma_start3A_115, %dma_start3A_116] : memref<2x80x64xf32, #tpu.memory_space<vmem>> -> memref<1x80x64xf32, #tpu.memory_space<vmem>>
          %dma_start3A_118 = tpu.memref_squeeze %dma_start3A_117 : memref<1x80x64xf32, #tpu.memory_space<vmem>> -> memref<80x64xf32, #tpu.memory_space<vmem>>
          %dma_start3A_119 = arith.constant 0 : i32
          %dma_start3A_120 = tpu.memref_slice %arg13[%add3A_113, %dma_start3A_119] : memref<128x80xi32, #tpu.memory_space<vmem>> -> memref<1x80xi32, #tpu.memory_space<vmem>>
          %dma_start3A_121 = tpu.memref_squeeze %dma_start3A_120 : memref<1x80xi32, #tpu.memory_space<vmem>> -> memref<80xi32, #tpu.memory_space<vmem>>
          %dma_start3A_122 = arith.constant 0 : i32
          %dma_start3A_123 = arith.constant 0 : i32
          %dma_start3A_124 = tpu.memref_slice %arg4[%dma_start3A_122, %dma_start3A_123] : memref<10000x64xf32, #tpu.memory_space<hbm>> -> memref<10000x64xf32, #tpu.memory_space<hbm>>
          tpu.enqueue_indirect_dma source(%dma_start3A_124 : memref<10000x64xf32, #tpu.memory_space<hbm>>) target(%dma_start3A_118 : memref<80x64xf32, #tpu.memory_space<vmem>>) offsets(%dma_start3A_121 : memref<80xi32, #tpu.memory_space<vmem>>) semaphore(%arg17 : memref<!tpu.dma_semaphore, #tpu.memory_space<semaphore_mem>>)
        } else {
        }
        %mul3A_89 = arith.constant 2 : i32
        %mul3A_90 = arith.muli %mul3A_89, %scan3A_69 : i32
        %add3A_91 = arith.constant 1 : i32
        %add3A_92 = arith.addi %mul3A_90, %add3A_91 : i32
        %dma_wait3A_93 = arith.constant 1 : i32
        %dma_wait3A_94 = arith.constant 0 : i32
        %dma_wait3A_95 = arith.constant 0 : i32
        %dma_wait3A_96 = tpu.memref_slice %arg15[%dma_wait3A_93, %dma_wait3A_94, %dma_wait3A_95] : memref<2x80x64xf32, #tpu.memory_space<vmem>> -> memref<1x80x64xf32, #tpu.memory_space<vmem>>
        %dma_wait3A_97 = tpu.memref_squeeze %dma_wait3A_96 : memref<1x80x64xf32, #tpu.memory_space<vmem>> -> memref<80x64xf32, #tpu.memory_space<vmem>>
        %dma_wait3A_98 = arith.constant 0 : i32
        %dma_wait3A_99 = tpu.memref_slice %arg13[%add3A_92, %dma_wait3A_98] : memref<128x80xi32, #tpu.memory_space<vmem>> -> memref<1x80xi32, #tpu.memory_space<vmem>>
        %dma_wait3A_100 = tpu.memref_squeeze %dma_wait3A_99 : memref<1x80xi32, #tpu.memory_space<vmem>> -> memref<80xi32, #tpu.memory_space<vmem>>
        %dma_wait3A_101 = arith.constant 0 : i32
        %dma_wait3A_102 = arith.constant 0 : i32
        %dma_wait3A_103 = tpu.memref_slice %arg4[%dma_wait3A_101, %dma_wait3A_102] : memref<10000x64xf32, #tpu.memory_space<hbm>> -> memref<10000x64xf32, #tpu.memory_space<hbm>>
        tpu.wait_indirect_dma semaphore(%arg18 : memref<!tpu.dma_semaphore, #tpu.memory_space<semaphore_mem>>) src(%dma_wait3A_103 : memref<10000x64xf32, #tpu.memory_space<hbm>>) dst(%dma_wait3A_97 : memref<80x64xf32, #tpu.memory_space<vmem>>)
        %run_scoped3A_104 = arith.constant 1 : i32
        "tpu.region"() ({
          %run_scoped3A_112 = tpu.sem_alloc : memref<!tpu.dma_semaphore, #tpu.memory_space<semaphore_mem>>
          %dma_start3A_113 = arith.constant 0 : i32
          %dma_start3A_114 = arith.constant 0 : i32
          %dma_start3A_115 = tpu.memref_slice %arg15[%run_scoped3A_104, %dma_start3A_113, %dma_start3A_114] : memref<2x80x64xf32, #tpu.memory_space<vmem>> -> memref<1x80x64xf32, #tpu.memory_space<vmem>>
          %dma_start3A_116 = tpu.memref_squeeze %dma_start3A_115 : memref<1x80x64xf32, #tpu.memory_space<vmem>> -> memref<80x64xf32, #tpu.memory_space<vmem>>
          %dma_start3A_117 = arith.constant 0 : i32
          %dma_start3A_118 = tpu.memref_slice %arg14[%add3A_92, %dma_start3A_117] : memref<128x80xi32, #tpu.memory_space<vmem>> -> memref<1x80xi32, #tpu.memory_space<vmem>>
          %dma_start3A_119 = tpu.memref_squeeze %dma_start3A_118 : memref<1x80xi32, #tpu.memory_space<vmem>> -> memref<80xi32, #tpu.memory_space<vmem>>
          %dma_start3A_120 = arith.constant 0 : i32
          %dma_start3A_121 = arith.constant 0 : i32
          %dma_start3A_122 = tpu.memref_slice %arg16[%dma_start3A_120, %dma_start3A_121] : memref<10240x64xf32, #tpu.memory_space<vmem_shared>> -> memref<10240x64xf32, #tpu.memory_space<vmem_shared>>
          tpu.enqueue_indirect_dma source(%dma_start3A_116 : memref<80x64xf32, #tpu.memory_space<vmem>>) target(%dma_start3A_122 : memref<10240x64xf32, #tpu.memory_space<vmem_shared>>) offsets(%dma_start3A_119 : memref<80xi32, #tpu.memory_space<vmem>>) semaphore(%run_scoped3A_112 : memref<!tpu.dma_semaphore, #tpu.memory_space<semaphore_mem>>) {add = true}
          %dma_wait3A_123 = arith.constant 0 : i32
          %dma_wait3A_124 = arith.constant 0 : i32
          %dma_wait3A_125 = tpu.memref_slice %arg15[%run_scoped3A_104, %dma_wait3A_123, %dma_wait3A_124] : memref<2x80x64xf32, #tpu.memory_space<vmem>> -> memref<1x80x64xf32, #tpu.memory_space<vmem>>
          %dma_wait3A_126 = tpu.memref_squeeze %dma_wait3A_125 : memref<1x80x64xf32, #tpu.memory_space<vmem>> -> memref<80x64xf32, #tpu.memory_space<vmem>>
          %dma_wait3A_127 = arith.constant 0 : i32
          %dma_wait3A_128 = tpu.memref_slice %arg14[%add3A_92, %dma_wait3A_127] : memref<128x80xi32, #tpu.memory_space<vmem>> -> memref<1x80xi32, #tpu.memory_space<vmem>>
          %dma_wait3A_129 = tpu.memref_squeeze %dma_wait3A_128 : memref<1x80xi32, #tpu.memory_space<vmem>> -> memref<80xi32, #tpu.memory_space<vmem>>
          %dma_wait3A_130 = arith.constant 0 : i32
          %dma_wait3A_131 = arith.constant 0 : i32
          %dma_wait3A_132 = tpu.memref_slice %arg16[%dma_wait3A_130, %dma_wait3A_131] : memref<10240x64xf32, #tpu.memory_space<vmem_shared>> -> memref<10240x64xf32, #tpu.memory_space<vmem_shared>>
          tpu.wait_indirect_dma semaphore(%run_scoped3A_112 : memref<!tpu.dma_semaphore, #tpu.memory_space<semaphore_mem>>) src(%dma_wait3A_126 : memref<80x64xf32, #tpu.memory_space<vmem>>) dst(%dma_wait3A_132 : memref<10240x64xf32, #tpu.memory_space<vmem_shared>>)
          tpu.yield
        }) : () -> ()
        %add3A_105 = arith.constant 2 : i32
        %add3A_106 = arith.addi %add3A_92, %add3A_105 : i32
        %lt3A_107 = arith.constant 128 : i32
        %lt3A_108 = arith.cmpi slt, %add3A_106, %lt3A_107 : i32
        %convert_element_type3A_109 = arith.extui %lt3A_108 : i1 to i32
        %cond3A_110 = arith.constant 0 : i32
        %cond3A_111 = arith.cmpi ne, %convert_element_type3A_109, %cond3A_110 : i32
        scf.if %cond3A_111 {
          %add3A_112 = arith.constant 2 : i32
          %add3A_113 = arith.addi %add3A_92, %add3A_112 : i32
          %dma_start3A_114 = arith.constant 1 : i32
          %dma_start3A_115 = arith.constant 0 : i32
          %dma_start3A_116 = arith.constant 0 : i32
          %dma_start3A_117 = tpu.memref_slice %arg15[%dma_start3A_114, %dma_start3A_115, %dma_start3A_116] : memref<2x80x64xf32, #tpu.memory_space<vmem>> -> memref<1x80x64xf32, #tpu.memory_space<vmem>>
          %dma_start3A_118 = tpu.memref_squeeze %dma_start3A_117 : memref<1x80x64xf32, #tpu.memory_space<vmem>> -> memref<80x64xf32, #tpu.memory_space<vmem>>
          %dma_start3A_119 = arith.constant 0 : i32
          %dma_start3A_120 = tpu.memref_slice %arg13[%add3A_113, %dma_start3A_119] : memref<128x80xi32, #tpu.memory_space<vmem>> -> memref<1x80xi32, #tpu.memory_space<vmem>>
          %dma_start3A_121 = tpu.memref_squeeze %dma_start3A_120 : memref<1x80xi32, #tpu.memory_space<vmem>> -> memref<80xi32, #tpu.memory_space<vmem>>
          %dma_start3A_122 = arith.constant 0 : i32
          %dma_start3A_123 = arith.constant 0 : i32
          %dma_start3A_124 = tpu.memref_slice %arg4[%dma_start3A_122, %dma_start3A_123] : memref<10000x64xf32, #tpu.memory_space<hbm>> -> memref<10000x64xf32, #tpu.memory_space<hbm>>
          tpu.enqueue_indirect_dma source(%dma_start3A_124 : memref<10000x64xf32, #tpu.memory_space<hbm>>) target(%dma_start3A_118 : memref<80x64xf32, #tpu.memory_space<vmem>>) offsets(%dma_start3A_121 : memref<80xi32, #tpu.memory_space<vmem>>) semaphore(%arg18 : memref<!tpu.dma_semaphore, #tpu.memory_space<semaphore_mem>>)
        } else {
        }
      }
      %scan3A_35 = arith.constant 64 : i32
      %barrier3A_36 = arith.constant 0 : index
      tpu.barrier barrier_id(%barrier3A_36)
      "tpu.region"() ({
        %run_scoped3A = tpu.sem_alloc : memref<!tpu.dma_semaphore, #tpu.memory_space<semaphore_mem>>
        %dma_start3A_69 = arith.constant 0 : i32
        %dma_start3A_70 = tpu.memref_slice %arg11[%mul3A_0, %dma_start3A_69] : memref<10240x64xf32, #tpu.memory_space<hbm>> -> memref<640x64xf32, #tpu.memory_space<hbm>>
        %dma_start3A_71 = arith.constant 0 : i32
        %dma_start3A_72 = tpu.memref_slice %arg16[%mul3A_0, %dma_start3A_71] : memref<10240x64xf32, #tpu.memory_space<vmem_shared>> -> memref<640x64xf32, #tpu.memory_space<vmem_shared>>
        tpu.enqueue_dma source(%dma_start3A_72 : memref<640x64xf32, #tpu.memory_space<vmem_shared>>) target(%dma_start3A_70 : memref<640x64xf32, #tpu.memory_space<hbm>>) target_semaphore(%run_scoped3A : memref<!tpu.dma_semaphore, #tpu.memory_space<semaphore_mem>>)
        %dma_wait3A = arith.constant 0 : i32
        %dma_wait3A_73 = tpu.memref_slice %arg11[%mul3A_0, %dma_wait3A] : memref<10240x64xf32, #tpu.memory_space<hbm>> -> memref<640x64xf32, #tpu.memory_space<hbm>>
        %dma_wait3A_74 = arith.constant 0 : i32
        %dma_wait3A_75 = tpu.memref_slice %arg16[%mul3A_0, %dma_wait3A_74] : memref<10240x64xf32, #tpu.memory_space<vmem_shared>> -> memref<640x64xf32, #tpu.memory_space<vmem_shared>>
        tpu.wait_dma2 semaphore(%run_scoped3A : memref<!tpu.dma_semaphore, #tpu.memory_space<semaphore_mem>>) src(%dma_wait3A_75 : memref<640x64xf32, #tpu.memory_space<vmem_shared>>) dst(%dma_wait3A_73 : memref<640x64xf32, #tpu.memory_space<hbm>>)
        tpu.yield
      }) : () -> ()
      "tpu.region"() ({
        %run_scoped3A = tpu.sem_alloc : memref<!tpu.dma_semaphore, #tpu.memory_space<semaphore_mem>>
        %dma_start3A_69 = arith.constant 0 : i32
        %dma_start3A_70 = tpu.memref_slice %arg16[%mul3A_0, %dma_start3A_69] : memref<10240x64xf32, #tpu.memory_space<vmem_shared>> -> memref<640x64xf32, #tpu.memory_space<vmem_shared>>
        tpu.enqueue_dma source(%arg8 : memref<640x64xf32, #tpu.memory_space<hbm>>) target(%dma_start3A_70 : memref<640x64xf32, #tpu.memory_space<vmem_shared>>) target_semaphore(%run_scoped3A : memref<!tpu.dma_semaphore, #tpu.memory_space<semaphore_mem>>)
        %dma_wait3A = arith.constant 0 : i32
        %dma_wait3A_71 = tpu.memref_slice %arg16[%mul3A_0, %dma_wait3A] : memref<10240x64xf32, #tpu.memory_space<vmem_shared>> -> memref<640x64xf32, #tpu.memory_space<vmem_shared>>
        tpu.wait_dma2 semaphore(%run_scoped3A : memref<!tpu.dma_semaphore, #tpu.memory_space<semaphore_mem>>) src(%arg8 : memref<640x64xf32, #tpu.memory_space<hbm>>) dst(%dma_wait3A_71 : memref<640x64xf32, #tpu.memory_space<vmem_shared>>)
        tpu.yield
      }) : () -> ()
      %barrier3A_37 = arith.constant 0 : index
      tpu.barrier barrier_id(%barrier3A_37)
      %dma_start3A_38 = arith.constant 0 : i32
      %dma_start3A_39 = arith.constant 0 : i32
      %dma_start3A_40 = arith.constant 0 : i32
      %dma_start3A_41 = arith.constant 0 : i32
      %dma_start3A_42 = tpu.memref_slice %arg15[%dma_start3A_39, %dma_start3A_40, %dma_start3A_41] : memref<2x80x64xf32, #tpu.memory_space<vmem>> -> memref<1x80x64xf32, #tpu.memory_space<vmem>>
      %dma_start3A_43 = tpu.memref_squeeze %dma_start3A_42 : memref<1x80x64xf32, #tpu.memory_space<vmem>> -> memref<80x64xf32, #tpu.memory_space<vmem>>
      %dma_start3A_44 = arith.constant 0 : i32
      %dma_start3A_45 = tpu.memref_slice %arg13[%dma_start3A_38, %dma_start3A_44] : memref<128x80xi32, #tpu.memory_space<vmem>> -> memref<1x80xi32, #tpu.memory_space<vmem>>
      %dma_start3A_46 = tpu.memref_squeeze %dma_start3A_45 : memref<1x80xi32, #tpu.memory_space<vmem>> -> memref<80xi32, #tpu.memory_space<vmem>>
      %dma_start3A_47 = arith.constant 0 : i32
      %dma_start3A_48 = arith.constant 0 : i32
      %dma_start3A_49 = tpu.memref_slice %arg5[%dma_start3A_47, %dma_start3A_48] : memref<10000x64xf32, #tpu.memory_space<hbm>> -> memref<10000x64xf32, #tpu.memory_space<hbm>>
      tpu.enqueue_indirect_dma source(%dma_start3A_49 : memref<10000x64xf32, #tpu.memory_space<hbm>>) target(%dma_start3A_43 : memref<80x64xf32, #tpu.memory_space<vmem>>) offsets(%dma_start3A_46 : memref<80xi32, #tpu.memory_space<vmem>>) semaphore(%arg17 : memref<!tpu.dma_semaphore, #tpu.memory_space<semaphore_mem>>)
      %dma_start3A_50 = arith.constant 1 : i32
      %dma_start3A_51 = arith.constant 1 : i32
      %dma_start3A_52 = arith.constant 0 : i32
      %dma_start3A_53 = arith.constant 0 : i32
      %dma_start3A_54 = tpu.memref_slice %arg15[%dma_start3A_51, %dma_start3A_52, %dma_start3A_53] : memref<2x80x64xf32, #tpu.memory_space<vmem>> -> memref<1x80x64xf32, #tpu.memory_space<vmem>>
      %dma_start3A_55 = tpu.memref_squeeze %dma_start3A_54 : memref<1x80x64xf32, #tpu.memory_space<vmem>> -> memref<80x64xf32, #tpu.memory_space<vmem>>
      %dma_start3A_56 = arith.constant 0 : i32
      %dma_start3A_57 = tpu.memref_slice %arg13[%dma_start3A_50, %dma_start3A_56] : memref<128x80xi32, #tpu.memory_space<vmem>> -> memref<1x80xi32, #tpu.memory_space<vmem>>
      %dma_start3A_58 = tpu.memref_squeeze %dma_start3A_57 : memref<1x80xi32, #tpu.memory_space<vmem>> -> memref<80xi32, #tpu.memory_space<vmem>>
      %dma_start3A_59 = arith.constant 0 : i32
      %dma_start3A_60 = arith.constant 0 : i32
      %dma_start3A_61 = tpu.memref_slice %arg5[%dma_start3A_59, %dma_start3A_60] : memref<10000x64xf32, #tpu.memory_space<hbm>> -> memref<10000x64xf32, #tpu.memory_space<hbm>>
      tpu.enqueue_indirect_dma source(%dma_start3A_61 : memref<10000x64xf32, #tpu.memory_space<hbm>>) target(%dma_start3A_55 : memref<80x64xf32, #tpu.memory_space<vmem>>) offsets(%dma_start3A_58 : memref<80xi32, #tpu.memory_space<vmem>>) semaphore(%arg18 : memref<!tpu.dma_semaphore, #tpu.memory_space<semaphore_mem>>)
      %scan3A_62 = arith.constant 0 : i32
      %scan3A_63 = arith.constant 0 : i32
      %scan3A_64 = arith.constant 64 : i32
      %scan3A_65 = arith.addi %scan3A_63, %scan3A_64 : i32
      %scan3A_66 = arith.constant 1 : i32
      scf.for %scan3A_69 = %scan3A_63 to %scan3A_65 step %scan3A_66  : i32 {
        %mul3A_70 = arith.constant 2 : i32
        %mul3A_71 = arith.muli %mul3A_70, %scan3A_69 : i32
        %add3A = arith.constant 0 : i32
        %add3A_72 = arith.addi %mul3A_71, %add3A : i32
        %dma_wait3A = arith.constant 0 : i32
        %dma_wait3A_73 = arith.constant 0 : i32
        %dma_wait3A_74 = arith.constant 0 : i32
        %dma_wait3A_75 = tpu.memref_slice %arg15[%dma_wait3A, %dma_wait3A_73, %dma_wait3A_74] : memref<2x80x64xf32, #tpu.memory_space<vmem>> -> memref<1x80x64xf32, #tpu.memory_space<vmem>>
        %dma_wait3A_76 = tpu.memref_squeeze %dma_wait3A_75 : memref<1x80x64xf32, #tpu.memory_space<vmem>> -> memref<80x64xf32, #tpu.memory_space<vmem>>
        %dma_wait3A_77 = arith.constant 0 : i32
        %dma_wait3A_78 = tpu.memref_slice %arg13[%add3A_72, %dma_wait3A_77] : memref<128x80xi32, #tpu.memory_space<vmem>> -> memref<1x80xi32, #tpu.memory_space<vmem>>
        %dma_wait3A_79 = tpu.memref_squeeze %dma_wait3A_78 : memref<1x80xi32, #tpu.memory_space<vmem>> -> memref<80xi32, #tpu.memory_space<vmem>>
        %dma_wait3A_80 = arith.constant 0 : i32
        %dma_wait3A_81 = arith.constant 0 : i32
        %dma_wait3A_82 = tpu.memref_slice %arg5[%dma_wait3A_80, %dma_wait3A_81] : memref<10000x64xf32, #tpu.memory_space<hbm>> -> memref<10000x64xf32, #tpu.memory_space<hbm>>
        tpu.wait_indirect_dma semaphore(%arg17 : memref<!tpu.dma_semaphore, #tpu.memory_space<semaphore_mem>>) src(%dma_wait3A_82 : memref<10000x64xf32, #tpu.memory_space<hbm>>) dst(%dma_wait3A_76 : memref<80x64xf32, #tpu.memory_space<vmem>>)
        %run_scoped3A = arith.constant 0 : i32
        "tpu.region"() ({
          %run_scoped3A_112 = tpu.sem_alloc : memref<!tpu.dma_semaphore, #tpu.memory_space<semaphore_mem>>
          %dma_start3A_113 = arith.constant 0 : i32
          %dma_start3A_114 = arith.constant 0 : i32
          %dma_start3A_115 = tpu.memref_slice %arg15[%run_scoped3A, %dma_start3A_113, %dma_start3A_114] : memref<2x80x64xf32, #tpu.memory_space<vmem>> -> memref<1x80x64xf32, #tpu.memory_space<vmem>>
          %dma_start3A_116 = tpu.memref_squeeze %dma_start3A_115 : memref<1x80x64xf32, #tpu.memory_space<vmem>> -> memref<80x64xf32, #tpu.memory_space<vmem>>
          %dma_start3A_117 = arith.constant 0 : i32
          %dma_start3A_118 = tpu.memref_slice %arg14[%add3A_72, %dma_start3A_117] : memref<128x80xi32, #tpu.memory_space<vmem>> -> memref<1x80xi32, #tpu.memory_space<vmem>>
          %dma_start3A_119 = tpu.memref_squeeze %dma_start3A_118 : memref<1x80xi32, #tpu.memory_space<vmem>> -> memref<80xi32, #tpu.memory_space<vmem>>
          %dma_start3A_120 = arith.constant 0 : i32
          %dma_start3A_121 = arith.constant 0 : i32
          %dma_start3A_122 = tpu.memref_slice %arg16[%dma_start3A_120, %dma_start3A_121] : memref<10240x64xf32, #tpu.memory_space<vmem_shared>> -> memref<10240x64xf32, #tpu.memory_space<vmem_shared>>
          tpu.enqueue_indirect_dma source(%dma_start3A_116 : memref<80x64xf32, #tpu.memory_space<vmem>>) target(%dma_start3A_122 : memref<10240x64xf32, #tpu.memory_space<vmem_shared>>) offsets(%dma_start3A_119 : memref<80xi32, #tpu.memory_space<vmem>>) semaphore(%run_scoped3A_112 : memref<!tpu.dma_semaphore, #tpu.memory_space<semaphore_mem>>) {add = true}
          %dma_wait3A_123 = arith.constant 0 : i32
          %dma_wait3A_124 = arith.constant 0 : i32
          %dma_wait3A_125 = tpu.memref_slice %arg15[%run_scoped3A, %dma_wait3A_123, %dma_wait3A_124] : memref<2x80x64xf32, #tpu.memory_space<vmem>> -> memref<1x80x64xf32, #tpu.memory_space<vmem>>
          %dma_wait3A_126 = tpu.memref_squeeze %dma_wait3A_125 : memref<1x80x64xf32, #tpu.memory_space<vmem>> -> memref<80x64xf32, #tpu.memory_space<vmem>>
          %dma_wait3A_127 = arith.constant 0 : i32
          %dma_wait3A_128 = tpu.memref_slice %arg14[%add3A_72, %dma_wait3A_127] : memref<128x80xi32, #tpu.memory_space<vmem>> -> memref<1x80xi32, #tpu.memory_space<vmem>>
          %dma_wait3A_129 = tpu.memref_squeeze %dma_wait3A_128 : memref<1x80xi32, #tpu.memory_space<vmem>> -> memref<80xi32, #tpu.memory_space<vmem>>
          %dma_wait3A_130 = arith.constant 0 : i32
          %dma_wait3A_131 = arith.constant 0 : i32
          %dma_wait3A_132 = tpu.memref_slice %arg16[%dma_wait3A_130, %dma_wait3A_131] : memref<10240x64xf32, #tpu.memory_space<vmem_shared>> -> memref<10240x64xf32, #tpu.memory_space<vmem_shared>>
          tpu.wait_indirect_dma semaphore(%run_scoped3A_112 : memref<!tpu.dma_semaphore, #tpu.memory_space<semaphore_mem>>) src(%dma_wait3A_126 : memref<80x64xf32, #tpu.memory_space<vmem>>) dst(%dma_wait3A_132 : memref<10240x64xf32, #tpu.memory_space<vmem_shared>>)
          tpu.yield
        }) : () -> ()
        %add3A_83 = arith.constant 2 : i32
        %add3A_84 = arith.addi %add3A_72, %add3A_83 : i32
        %lt3A = arith.constant 128 : i32
        %lt3A_85 = arith.cmpi slt, %add3A_84, %lt3A : i32
        %convert_element_type3A_86 = arith.extui %lt3A_85 : i1 to i32
        %cond3A_87 = arith.constant 0 : i32
        %cond3A_88 = arith.cmpi ne, %convert_element_type3A_86, %cond3A_87 : i32
        scf.if %cond3A_88 {
          %add3A_112 = arith.constant 2 : i32
          %add3A_113 = arith.addi %add3A_72, %add3A_112 : i32
          %dma_start3A_114 = arith.constant 0 : i32
          %dma_start3A_115 = arith.constant 0 : i32
          %dma_start3A_116 = arith.constant 0 : i32
          %dma_start3A_117 = tpu.memref_slice %arg15[%dma_start3A_114, %dma_start3A_115, %dma_start3A_116] : memref<2x80x64xf32, #tpu.memory_space<vmem>> -> memref<1x80x64xf32, #tpu.memory_space<vmem>>
          %dma_start3A_118 = tpu.memref_squeeze %dma_start3A_117 : memref<1x80x64xf32, #tpu.memory_space<vmem>> -> memref<80x64xf32, #tpu.memory_space<vmem>>
          %dma_start3A_119 = arith.constant 0 : i32
          %dma_start3A_120 = tpu.memref_slice %arg13[%add3A_113, %dma_start3A_119] : memref<128x80xi32, #tpu.memory_space<vmem>> -> memref<1x80xi32, #tpu.memory_space<vmem>>
          %dma_start3A_121 = tpu.memref_squeeze %dma_start3A_120 : memref<1x80xi32, #tpu.memory_space<vmem>> -> memref<80xi32, #tpu.memory_space<vmem>>
          %dma_start3A_122 = arith.constant 0 : i32
          %dma_start3A_123 = arith.constant 0 : i32
          %dma_start3A_124 = tpu.memref_slice %arg5[%dma_start3A_122, %dma_start3A_123] : memref<10000x64xf32, #tpu.memory_space<hbm>> -> memref<10000x64xf32, #tpu.memory_space<hbm>>
          tpu.enqueue_indirect_dma source(%dma_start3A_124 : memref<10000x64xf32, #tpu.memory_space<hbm>>) target(%dma_start3A_118 : memref<80x64xf32, #tpu.memory_space<vmem>>) offsets(%dma_start3A_121 : memref<80xi32, #tpu.memory_space<vmem>>) semaphore(%arg17 : memref<!tpu.dma_semaphore, #tpu.memory_space<semaphore_mem>>)
        } else {
        }
        %mul3A_89 = arith.constant 2 : i32
        %mul3A_90 = arith.muli %mul3A_89, %scan3A_69 : i32
        %add3A_91 = arith.constant 1 : i32
        %add3A_92 = arith.addi %mul3A_90, %add3A_91 : i32
        %dma_wait3A_93 = arith.constant 1 : i32
        %dma_wait3A_94 = arith.constant 0 : i32
        %dma_wait3A_95 = arith.constant 0 : i32
        %dma_wait3A_96 = tpu.memref_slice %arg15[%dma_wait3A_93, %dma_wait3A_94, %dma_wait3A_95] : memref<2x80x64xf32, #tpu.memory_space<vmem>> -> memref<1x80x64xf32, #tpu.memory_space<vmem>>
        %dma_wait3A_97 = tpu.memref_squeeze %dma_wait3A_96 : memref<1x80x64xf32, #tpu.memory_space<vmem>> -> memref<80x64xf32, #tpu.memory_space<vmem>>
        %dma_wait3A_98 = arith.constant 0 : i32
        %dma_wait3A_99 = tpu.memref_slice %arg13[%add3A_92, %dma_wait3A_98] : memref<128x80xi32, #tpu.memory_space<vmem>> -> memref<1x80xi32, #tpu.memory_space<vmem>>
        %dma_wait3A_100 = tpu.memref_squeeze %dma_wait3A_99 : memref<1x80xi32, #tpu.memory_space<vmem>> -> memref<80xi32, #tpu.memory_space<vmem>>
        %dma_wait3A_101 = arith.constant 0 : i32
        %dma_wait3A_102 = arith.constant 0 : i32
        %dma_wait3A_103 = tpu.memref_slice %arg5[%dma_wait3A_101, %dma_wait3A_102] : memref<10000x64xf32, #tpu.memory_space<hbm>> -> memref<10000x64xf32, #tpu.memory_space<hbm>>
        tpu.wait_indirect_dma semaphore(%arg18 : memref<!tpu.dma_semaphore, #tpu.memory_space<semaphore_mem>>) src(%dma_wait3A_103 : memref<10000x64xf32, #tpu.memory_space<hbm>>) dst(%dma_wait3A_97 : memref<80x64xf32, #tpu.memory_space<vmem>>)
        %run_scoped3A_104 = arith.constant 1 : i32
        "tpu.region"() ({
          %run_scoped3A_112 = tpu.sem_alloc : memref<!tpu.dma_semaphore, #tpu.memory_space<semaphore_mem>>
          %dma_start3A_113 = arith.constant 0 : i32
          %dma_start3A_114 = arith.constant 0 : i32
          %dma_start3A_115 = tpu.memref_slice %arg15[%run_scoped3A_104, %dma_start3A_113, %dma_start3A_114] : memref<2x80x64xf32, #tpu.memory_space<vmem>> -> memref<1x80x64xf32, #tpu.memory_space<vmem>>
          %dma_start3A_116 = tpu.memref_squeeze %dma_start3A_115 : memref<1x80x64xf32, #tpu.memory_space<vmem>> -> memref<80x64xf32, #tpu.memory_space<vmem>>
          %dma_start3A_117 = arith.constant 0 : i32
          %dma_start3A_118 = tpu.memref_slice %arg14[%add3A_92, %dma_start3A_117] : memref<128x80xi32, #tpu.memory_space<vmem>> -> memref<1x80xi32, #tpu.memory_space<vmem>>
          %dma_start3A_119 = tpu.memref_squeeze %dma_start3A_118 : memref<1x80xi32, #tpu.memory_space<vmem>> -> memref<80xi32, #tpu.memory_space<vmem>>
          %dma_start3A_120 = arith.constant 0 : i32
          %dma_start3A_121 = arith.constant 0 : i32
          %dma_start3A_122 = tpu.memref_slice %arg16[%dma_start3A_120, %dma_start3A_121] : memref<10240x64xf32, #tpu.memory_space<vmem_shared>> -> memref<10240x64xf32, #tpu.memory_space<vmem_shared>>
          tpu.enqueue_indirect_dma source(%dma_start3A_116 : memref<80x64xf32, #tpu.memory_space<vmem>>) target(%dma_start3A_122 : memref<10240x64xf32, #tpu.memory_space<vmem_shared>>) offsets(%dma_start3A_119 : memref<80xi32, #tpu.memory_space<vmem>>) semaphore(%run_scoped3A_112 : memref<!tpu.dma_semaphore, #tpu.memory_space<semaphore_mem>>) {add = true}
          %dma_wait3A_123 = arith.constant 0 : i32
          %dma_wait3A_124 = arith.constant 0 : i32
          %dma_wait3A_125 = tpu.memref_slice %arg15[%run_scoped3A_104, %dma_wait3A_123, %dma_wait3A_124] : memref<2x80x64xf32, #tpu.memory_space<vmem>> -> memref<1x80x64xf32, #tpu.memory_space<vmem>>
          %dma_wait3A_126 = tpu.memref_squeeze %dma_wait3A_125 : memref<1x80x64xf32, #tpu.memory_space<vmem>> -> memref<80x64xf32, #tpu.memory_space<vmem>>
          %dma_wait3A_127 = arith.constant 0 : i32
          %dma_wait3A_128 = tpu.memref_slice %arg14[%add3A_92, %dma_wait3A_127] : memref<128x80xi32, #tpu.memory_space<vmem>> -> memref<1x80xi32, #tpu.memory_space<vmem>>
          %dma_wait3A_129 = tpu.memref_squeeze %dma_wait3A_128 : memref<1x80xi32, #tpu.memory_space<vmem>> -> memref<80xi32, #tpu.memory_space<vmem>>
          %dma_wait3A_130 = arith.constant 0 : i32
          %dma_wait3A_131 = arith.constant 0 : i32
          %dma_wait3A_132 = tpu.memref_slice %arg16[%dma_wait3A_130, %dma_wait3A_131] : memref<10240x64xf32, #tpu.memory_space<vmem_shared>> -> memref<10240x64xf32, #tpu.memory_space<vmem_shared>>
          tpu.wait_indirect_dma semaphore(%run_scoped3A_112 : memref<!tpu.dma_semaphore, #tpu.memory_space<semaphore_mem>>) src(%dma_wait3A_126 : memref<80x64xf32, #tpu.memory_space<vmem>>) dst(%dma_wait3A_132 : memref<10240x64xf32, #tpu.memory_space<vmem_shared>>)
          tpu.yield
        }) : () -> ()
        %add3A_105 = arith.constant 2 : i32
        %add3A_106 = arith.addi %add3A_92, %add3A_105 : i32
        %lt3A_107 = arith.constant 128 : i32
        %lt3A_108 = arith.cmpi slt, %add3A_106, %lt3A_107 : i32
        %convert_element_type3A_109 = arith.extui %lt3A_108 : i1 to i32
        %cond3A_110 = arith.constant 0 : i32
        %cond3A_111 = arith.cmpi ne, %convert_element_type3A_109, %cond3A_110 : i32
        scf.if %cond3A_111 {
          %add3A_112 = arith.constant 2 : i32
          %add3A_113 = arith.addi %add3A_92, %add3A_112 : i32
          %dma_start3A_114 = arith.constant 1 : i32
          %dma_start3A_115 = arith.constant 0 : i32
          %dma_start3A_116 = arith.constant 0 : i32
          %dma_start3A_117 = tpu.memref_slice %arg15[%dma_start3A_114, %dma_start3A_115, %dma_start3A_116] : memref<2x80x64xf32, #tpu.memory_space<vmem>> -> memref<1x80x64xf32, #tpu.memory_space<vmem>>
          %dma_start3A_118 = tpu.memref_squeeze %dma_start3A_117 : memref<1x80x64xf32, #tpu.memory_space<vmem>> -> memref<80x64xf32, #tpu.memory_space<vmem>>
          %dma_start3A_119 = arith.constant 0 : i32
          %dma_start3A_120 = tpu.memref_slice %arg13[%add3A_113, %dma_start3A_119] : memref<128x80xi32, #tpu.memory_space<vmem>> -> memref<1x80xi32, #tpu.memory_space<vmem>>
          %dma_start3A_121 = tpu.memref_squeeze %dma_start3A_120 : memref<1x80xi32, #tpu.memory_space<vmem>> -> memref<80xi32, #tpu.memory_space<vmem>>
          %dma_start3A_122 = arith.constant 0 : i32
          %dma_start3A_123 = arith.constant 0 : i32
          %dma_start3A_124 = tpu.memref_slice %arg5[%dma_start3A_122, %dma_start3A_123] : memref<10000x64xf32, #tpu.memory_space<hbm>> -> memref<10000x64xf32, #tpu.memory_space<hbm>>
          tpu.enqueue_indirect_dma source(%dma_start3A_124 : memref<10000x64xf32, #tpu.memory_space<hbm>>) target(%dma_start3A_118 : memref<80x64xf32, #tpu.memory_space<vmem>>) offsets(%dma_start3A_121 : memref<80xi32, #tpu.memory_space<vmem>>) semaphore(%arg18 : memref<!tpu.dma_semaphore, #tpu.memory_space<semaphore_mem>>)
        } else {
        }
      }
      %scan3A_67 = arith.constant 64 : i32
      %barrier3A_68 = arith.constant 0 : index
      tpu.barrier barrier_id(%barrier3A_68)
      "tpu.region"() ({
        %run_scoped3A = tpu.sem_alloc : memref<!tpu.dma_semaphore, #tpu.memory_space<semaphore_mem>>
        %dma_start3A_69 = arith.constant 0 : i32
        %dma_start3A_70 = tpu.memref_slice %arg12[%mul3A_0, %dma_start3A_69] : memref<10240x64xf32, #tpu.memory_space<hbm>> -> memref<640x64xf32, #tpu.memory_space<hbm>>
        %dma_start3A_71 = arith.constant 0 : i32
        %dma_start3A_72 = tpu.memref_slice %arg16[%mul3A_0, %dma_start3A_71] : memref<10240x64xf32, #tpu.memory_space<vmem_shared>> -> memref<640x64xf32, #tpu.memory_space<vmem_shared>>
        tpu.enqueue_dma source(%dma_start3A_72 : memref<640x64xf32, #tpu.memory_space<vmem_shared>>) target(%dma_start3A_70 : memref<640x64xf32, #tpu.memory_space<hbm>>) target_semaphore(%run_scoped3A : memref<!tpu.dma_semaphore, #tpu.memory_space<semaphore_mem>>)
        %dma_wait3A = arith.constant 0 : i32
        %dma_wait3A_73 = tpu.memref_slice %arg12[%mul3A_0, %dma_wait3A] : memref<10240x64xf32, #tpu.memory_space<hbm>> -> memref<640x64xf32, #tpu.memory_space<hbm>>
        %dma_wait3A_74 = arith.constant 0 : i32
        %dma_wait3A_75 = tpu.memref_slice %arg16[%mul3A_0, %dma_wait3A_74] : memref<10240x64xf32, #tpu.memory_space<vmem_shared>> -> memref<640x64xf32, #tpu.memory_space<vmem_shared>>
        tpu.wait_dma2 semaphore(%run_scoped3A : memref<!tpu.dma_semaphore, #tpu.memory_space<semaphore_mem>>) src(%dma_wait3A_75 : memref<640x64xf32, #tpu.memory_space<vmem_shared>>) dst(%dma_wait3A_73 : memref<640x64xf32, #tpu.memory_space<hbm>>)
        tpu.yield
      }) : () -> ()
    } else {
    }
    return
  }
}

</mosaic_0001>

<sc_bundles>
// kernel: _sc_edge_agg.3.cloned.1.call-start
scs
__scs_entry_jumppad:
0x0: {  	(pc) =	sbr.rel $0x88, $3  }
0x1: {  	(tag) =	ssettag $0x0;
	lr =	simm.s32 $0x1  }
0x2: {  	[smem:$0x3F9E] =	sst lr;
	_ =	strace $0xD0000000  }
0x3: {  	_ = 	snop  }
0x4: {  	_ = 	snop  }
0x5: {  	_ = 	snop  }
0x6: {  	_ = 	snop  }
0x7: {  	_ = 	snop  }
__scs_overlays_trampoline_lowered:
0x8: {  	[smem:$0x3FAD] =	sst s0  }
0x9: {  	[smem:$0x3FAE] =	sst s1  }
0xa: {  	[smem:$0x3FAF] =	sst s2  }
0xb: {  	[smem:$0x3FB0] =	sst s3  }
0xc: {  	[smem:$0x3FB1] =	sst s4  }
0xd: {  	[smem:$0x3FB2] =	sst s5  }
0xe: {  	[smem:$0x3FB3] =	sst s6  }
0xf: {  	[smem:$0x3FB4] =	sst s7  }
0x10: {  	[smem:$0x3FB5] =	sst s8  }
0x11: {  	[smem:$0x3FB6] =	sst s9;
	s0 =	simm.s32 @!p0 $0x0  }
0x12: {  	s1 =	sld [smem:$0x3F9C];
	s0 =	simm.s32 @p0 $0x1  }
0x13: {  	[smem:$0x3FB7] =	sst s0;
	s0 =	simm.s32 @!p1 $0x0  }
0x14: {  	s2 =	sld [smem:$0x3F9B];
	s0 =	simm.s32 @p1 $0x1  }
0x15: {  	[smem:$0x3FB8] =	sst s0;
	s0 =	simm.s32 @!p2 $0x0  }
0x16: {  	s3 =	sld [smem:$0x3FDB];
	s0 =	simm.s32 @p2 $0x1  }
0x17: {  	s4 =	simm.s32 $0x1BF5;
	[smem:$0x3FBA] =	sst s0  }
0x18: {  	s0 =	sld [smem:$0x3F9D];
	_ =	swait.ge [sflag:s4], $0x0  }
0x19: {  	s7 =	sld [smem:$0x3F9E]  }
0x1a: {  	s8 =	sadd.s32 $0xFFFFE003, lr  }
0x1b: {  	s9 =	sadd.s32 $0xFFFFFEF7, lr;
	s5 =	simm.s32 $0xFFFFFFFF;
	p2 =	slt.u32 s8, $0xFFFFF086  }
0x1c: {  	p1 =	slt.u32 s9, $0xF7A;
	s5 =	simm.s32 @!p2 $0x0  }
0x1d: {  	s5 =	simm.s32 @p1 $0x1;
	p0 =	seq.s32 s7, s2  }
0x1e: {  	s7 =	smul.u32 @!p0 $0xF7A, s2;
	p2 =	seq.s32 @!p0 s5, $0x0  }
0x1f: {  	s9 =	smul.u32 $0xF7A, s1;
	s8 =	simm.s32 @!p0 $0x1BF5;
	p2 =	por !p2, p0  }
0x20: {  	[sflag:s8] =	ssyncset.s32 @!p0 $0xFFFFF086;
	s6 =	sadd.s32 @!p0 s3, s7;
	s7 =	simm.s32 @!p0 $0x108  }
0x21: {  	s3 =	sadd.s32 s3, s9;
	s6 =	sadd.s32 @!p0 $0x88, s6;
	s7 =	simm.s32 @p2 $0x1082  }
0x22: {  	[simem:s7], [sflag:s8] =	dma.local @!p0 [hbm:s6], $0xF7A  }
0x23: {  	s9 =	sor.u32 $0xD0000000, s2;
	s6 =	simm.s32 $0x108;
	_ =	swait.ge @!p0 [sflag:s8], $0x0  }
0x24: {  	s3 =	sadd.s32 $0x88, s3;
	s6 =	simm.s32 @!p1 $0x1082;
	[sflag:s4] =	ssyncset.s32 $0xFFFFF086  }
0x25: {  	[simem:s6], [sflag:s4] =	dma.local [hbm:s3], $0xF7A  }
0x26: {  	[smem:$0x3F9E] =	sst s1;
	(tag) =	ssettag s2;
	_ =	strace s9  }
0x27: {  	s1 =	sld [smem:$0x3FAE]  }
0x28: {  	s2 =	sld [smem:$0x3FAF]  }
0x29: {  	s4 =	sld [smem:$0x3FB1]  }
0x2a: {  	p0 =	seq.s32 s5, $0x0;
	s5 =	sld [smem:$0x3FB2]  }
0x2b: {  	s6 =	sld [smem:$0x3FB3]  }
0x2c: {  	s7 =	sld [smem:$0x3FB4]  }
0x2d: {  	s3 =	simm.s32 $0x108;
	s8 =	sld [smem:$0x3FB5]  }
0x2e: {  	s3 =	simm.s32 @!p0 $0x1082;
	s9 =	sld [smem:$0x3FB6]  }
0x2f: {  	lr =	sadd.s32 s0, s3;
	s0 =	sld [smem:$0x3FAD]  }
0x30: {  	s3 =	sld [smem:$0x3FB0]  }
0x31: {  	[smem:$0x3FB9] =	sst s10  }
0x32: {  	s10 =	sld [smem:$0x3FB7];
	_ =	sdelay $0x3  }
0x33: {  	p0 =	seq.s32 s10, $0x1;
	s10 =	sld [smem:$0x3FB9];
	_ =	sdelay $0x3  }
0x34: {  	[smem:$0x3FB9] =	sst s10  }
0x35: {  	s10 =	sld [smem:$0x3FB8];
	_ =	sdelay $0x3  }
0x36: {  	p1 =	seq.s32 s10, $0x1;
	s10 =	sld [smem:$0x3FB9];
	_ =	sdelay $0x3  }
0x37: {  	[smem:$0x3FB9] =	sst s10  }
0x38: {  	s10 =	sld [smem:$0x3FBA]  }
0x39: {  	_ = 	snop;
	(pc) =	sbr.ind lr, $3  }
0x3a: {  	_ = 	snop  }
0x3b: {  	_ = 	snop  }
0x3c: {  	p2 =	seq.s32 s10, $0x1;
	s10 =	sld [smem:$0x3FB9]  }
0x3d: {  	_ =	shalt  }
0x3e: {  	_ =	shalt  }
0x3f: {  	_ =	shalt  }
0x40: {  	_ =	shalt  }
0x41: {  	_ =	shalt  }
0x42: {  	_ =	shalt  }
0x43: {  	_ =	shalt  }
0x44: {  	_ =	shalt  }
0x45: {  	_ =	shalt  }
0x46: {  	_ =	shalt  }
0x47: {  	_ =	shalt  }
0x48: {  	_ =	shalt  }
0x49: {  	_ =	shalt  }
0x4a: {  	_ =	shalt  }
0x4b: {  	_ =	shalt  }
0x4c: {  	_ =	shalt  }
0x4d: {  	_ =	shalt  }
0x4e: {  	_ =	shalt  }
0x4f: {  	_ =	shalt  }
0x50: {  	_ =	shalt  }
0x51: {  	_ =	shalt  }
0x52: {  	_ =	shalt  }
0x53: {  	_ =	shalt  }
0x54: {  	_ =	shalt  }
0x55: {  	_ =	shalt  }
0x56: {  	_ =	shalt  }
0x57: {  	_ =	shalt  }
0x58: {  	_ =	shalt  }
0x59: {  	_ =	shalt  }
0x5a: {  	_ =	shalt  }
0x5b: {  	_ =	shalt  }
0x5c: {  	_ =	shalt  }
0x5d: {  	_ =	shalt  }
0x5e: {  	_ =	shalt  }
0x5f: {  	_ =	shalt  }
0x60: {  	_ =	shalt  }
0x61: {  	_ =	shalt  }
0x62: {  	_ =	shalt  }
0x63: {  	_ =	shalt  }
0x64: {  	_ =	shalt  }
0x65: {  	_ =	shalt  }
0x66: {  	_ =	shalt  }
0x67: {  	_ =	shalt  }
0x68: {  	_ =	shalt  }
0x69: {  	_ =	shalt  }
0x6a: {  	_ =	shalt  }
0x6b: {  	_ =	shalt  }
0x6c: {  	_ =	shalt  }
0x6d: {  	_ =	shalt  }
0x6e: {  	_ =	shalt  }
0x6f: {  	_ =	shalt  }
0x70: {  	_ =	shalt  }
0x71: {  	_ =	shalt  }
0x72: {  	_ =	shalt  }
0x73: {  	_ =	shalt  }
0x74: {  	_ =	shalt  }
0x75: {  	_ =	shalt  }
0x76: {  	_ =	shalt  }
0x77: {  	_ =	shalt  }
0x78: {  	_ =	shalt  }
0x79: {  	_ =	shalt  }
0x7a: {  	_ =	shalt  }
0x7b: {  	_ =	shalt  }
0x7c: {  	_ =	shalt  }
0x7d: {  	_ =	shalt  }
0x7e: {  	_ =	shalt  }
0x7f: {  	_ =	shalt  }
0x80: {  	_ =	shalt  }
0x81: {  	_ =	shalt  }
0x82: {  	_ =	shalt  }
0x83: {  	_ =	shalt  }
0x84: {  	_ =	shalt  }
0x85: {  	_ =	shalt  }
0x86: {  	_ =	shalt  }
0x87: {  	_ =	shalt  }
.Lfunc_end0:
.L_simem_size_0:
called_computation_lowered:
.L_overlay_start_0:
0x88: {  	s2 =	sld [smem:$0x3FD9]  }
0x89: {  	s3 =	sld [smem:$0x3FFE];
	_ =	sdelay $0x1  }
0x8a: {  	s1 =	srdreg.scid  }
0x8b: {  	s0 =	sand.u32 $0x1, s1  }
0x8c: {  	s17 =	sshll.u32 s0, $0xA;
	s2 =	sadd.s32 s3, s2  }
0x8d: {  	s2 =	sadd.s32 s2, s17  }
0x8e: {  	[smem:$0x3FC5] =	sst s2  }
0x8f: {  	_ = 	snop  }
0x90: {  	s2 =	sld [smem:$0x3FD0];
	(tm) =	ssettm $0x1  }
0x91: {  	s18 =	sld [smem:$0x3FFB];
	_ =	sdelay $0x3  }
0x92: {  	_ =	strace s18  }
0x93: {  	s3 =	sld [smem:$0x3FFC];
	_ =	sdelay $0x3  }
0x94: {  	_ =	strace s3  }
0x95: {  	s3 =	sld [smem:$0x3FFD];
	_ =	sdelay $0x3  }
0x96: {  	_ =	strace s3  }
0x97: {  	_ =	strace $0x8FFFFFFF  }
0x98: {  	s19 =	sld [smem:$0x3FDB];
	_ =	sdelay $0x1  }
0x99: {  	s4 =	simm.s32 $_scs_section_size  }
0x9a: {  	s5 =	simm.s32 $_size__tile_overlayer_lowered;
	s6 =	simm.s32 $_tile_overlayer_lowered  }
0x9b: {  	s22 =	simm.s32 $0x1BFF;
	s21 =	sshll.u32 s6, $0x1;
	s3 =	sadd.s32 s4, s19  }
0x9c: {  	s7 =	simm.s32 $0x0;
	s20 =	sshll.u32 s5, $0x1;
	s5 =	sadd.s32 s21, s3  }
0x9d: {  	[timem:s7], [sflag:s22] =	dma.local [hbm:s5], s20  }
0x9e: {  	_ =	swait.ge [sflag:s22], s20  }
0x9f: {  	s4 =	ssub.s32 $0x0, s20;
	[sflag:s22] =	ssyncset.done $0x0  }
0xa0: {  	[sflag:s22] =	ssyncadd.s32 s4;
	_ =	sdelay $0x1  }
0xa1: {  	s23 =	simm.s32 $0x1B8B  }
0xa2: {  	_ =	swait.ge [sflag:s23], $0x1  }
0xa3: {  	[sflag:s23] =	ssyncset.done $0x0  }
0xa4: {  	s25 =	simm.s32 $0x1B8E;
	s24 =	sld [smem:$0x3FFE];
	[sflag:s23] =	ssyncadd.s32 $0xFFFFFFFF  }
0xa5: {  	s26 =	simm.s32 $execute0_lowered;
	[smem:$0x3FD2] =	sst s25  }
0xa6: {  	s5 =	sshll.u32 s26, $0x1;
	_ =	strace $0x80000046;
	[dreg:$0x1] =	wrdreg $0xFFFFFFFF  }
0xa7: {  	s28 =	simm.s32 $_size_execute0_lowered;
	s3 =	sadd.s32 s3, s5;
	[dreg:$0x0] =	wrdreg $0x0  }
0xa8: {  	s5 =	sshll.u32 s28, $0x1;
	[dreg:$0x2] =	wrdreg s3  }
0xa9: {  	[dreg:$0x3] =	wrdreg s5  }
0xaa: {  	[dreg:$0x4] =	wrdreg $0xC0  }
0xab: {  	_ =	task [dreg:s7], $0x5FFFF  }
0xac: {  	[dreg:$0x1] =	wrdreg $0xFFFFFFFF  }
0xad: {  	[dreg:$0x0] =	wrdreg $0x60  }
0xae: {  	[dreg:$0x2] =	wrdreg s24  }
0xaf: {  	[dreg:$0x3] =	wrdreg s2  }
0xb0: {  	[dreg:$0x4] =	wrdreg $0x78000  }
0xb1: {  	[dreg:$0x5] =	wrdreg $0x9  }
0xb2: {  	_ =	task.clear_ibuf [dreg:s7], $0x6FFFF;
	_ =	strace $0x90000046  }
0xb3: {  	s29 =	simm.s32 $0x9;
	_ =	strace $0x80000048  }
0xb4: {  	_ =	swait.ge [sflag:s29], $0x1  }
0xb5: {  	[sflag:s29] =	ssyncadd.s32 $0xFFFFFFFF  }
0xb6: {  	_ =	strace $0x90000048  }
0xb7: {  	_ =	sfence  }
0xb8: {  	s30 =	sld [smem:$0x0];
	_ =	sdelay $0x2  }
0xb9: {  	s31 =	sshll.u32 s1, $0xD;
	s1 =	sshrl.u32 s1, $0x2  }
0xba: {  	s3 =	sand.u32 $0x4000, s31;
	s1 =	sadd.s32 s1, s30  }
0xbb: {  	s0 =	sor.u32 s3, s0;
	s1 =	sshll.u32 s1, $0x11  }
0xbc: {  	s0 =	sor.u32 s1, s0  }
0xbd: {  	s0 =	sadd.s32 $0x8F2B, s0  }
0xbe: {  	[sflag:s0] =	ssyncadd.remote.s32 $0x1  }
0xbf: {  	_ =	sfence.sel $0xFFFF  }
0xc0: {  	[dreg:$0x0] =	wrdreg $0xFFFFFFFF;
	(pc) =	sbr.abs _section_cstart, $3  }
0xc1: {  	[dreg:$0x1] =	wrdreg $0xFFFFFFFF  }
0xc2: {  	_ =	task.clear_ibuf [dreg:s7], $0x2FFFF;
	_ =	strace $0x9FFFFFFF  }
0xc3: {  	(tm) =	ssettm $0x7FFFFFFF  }
tec
execute0_lowered:
.L_overlay_start_1:
0x0: {  	(tag) =	ssettag $0x1  }
0x1: {  	s11 =	rddreg [dreg:$0x0]  }
0x2: {  	s14 =	rddreg [dreg:$0x1]  }
0x3: {  	s1 =	rddreg [dreg:$0x2]  }
0x4: {  	s3 =	simm.s32 $0x0;
	s2 =	stileid.u32;
	s9 =	srdreg.scid  }
0x5: {  	s21 =	simm.s32 $0x50;
	s22 =	simm.s32 $0x5000;
	s23 =	simm.s32 $0x6400  }
0x6: {  	s24 =	simm.s32 $0x1;
	s25 =	simm.s32 $0x2;
	s26 =	simm.s32 $0x4F60  }
0x7: {  	s28 =	simm.s32 $0x4FB0;
	s29 =	simm.s32 $0x0;
	[smem:$0x7FF] =	sst s3  }
0x8: {  	s4 =	sadd.s32 $0x47000, s11;
	s5 =	sadd.s32 $0x33600, s11;
	s8 =	smul.u32 $0x500, s2  }
0x9: {  	s6 =	sadd.s32 $0x1FC00, s11;
	s7 =	sadd.s32 $0xC200, s11;
	s15 =	smul.u32 $0xA000, s2  }
0xa: {  	s16 =	sand.u32 $0x1, s9;
	s9 =	sadd.s32 $0x5BE00, s11;
	s19 =	sshll.u32 s2, $0x6  }
0xb: {  	_ =	strace $0x80000047;
	s12 =	ssub.s32 $0x2, s16;
	p0 =	seq.s32 s16, $0x1  }
0xc: {  	s19 =	sor.u32 $0x1C03, s19;
	s13 =	sadd.s32 s8, s11;
	s8 =	sadd.s32 $0x5AA00, s11  }
.Ltmp0:
0xd: {  	s10 =	sshrl.u32 s15, $0x3;
	s18 =	sshrl.u32 s12, $0x1;
	(pc) =	sbr.rel .LBB2_1-.Ltmp0, $4  }
0xe: {  	s20 =	sadd.s32 s15, s1;
	s17 =	sadd.s32 s10, s11;
	s11 =	sadd.s32 $0x83E00, s11  }
0xf: {  	s18 =	ssub.s32 s12, s18;
	s12 =	sadd.s32 $0x2200, s13;
	s13 =	sadd.s32 $0x7200, s13  }
0x10: {  	s14 =	sadd.s32 s14, s10;
	s20 =	sshrl.u32 s20, $0x3;
	s15 =	sadd.s32 $0x6FE00, s17  }
0x11: {  	s16 =	smax.u32 s18, $0x1;
	s17 =	simm.s32 $0x3;
	s18 =	simm.s32 $0x2800  }
.LBB2_11:
0x12: {  	[tilespmem:s23], [sflag:$0x2] =	stream.indirect.gather [hbm4b:s7+s21], $0x40, s31, s21, $0xb8;
	[tilespmem:$0x11800] =	vst v63  }
0x13: {  	s30 =	smov.u32 s11  }
.LBB2_12:
0x14: {  	_ =	swait.ge [sflag:s24], $0x1400  }
0x15: {  	[sflag:s24] =	ssyncset.done $0x0  }
0x16: {  	[sflag:s24] =	ssyncadd.s32 $0xFFFFEC00  }
0x17: {  	[spmem:s1] =	stream.indirect.scatter.add.f32 [tilespmem:s22], [sflag:$0x3], $0x40, s26, s21, $0xb8;
	[tilespmem:$0x11800] =	vst v63  }
0x18: {  	_ =	swait.ge [sflag:s17], $0x1400  }
0x19: {  	[sflag:s17] =	ssyncset.done $0x0  }
0x1a: {  	[sflag:s17] =	ssyncadd.s32 $0xFFFFEC00  }
0x1b: {  	_ =	swait.ge [sflag:s25], $0x1400  }
0x1c: {  	[sflag:s25] =	ssyncset.done $0x0  }
0x1d: {  	[sflag:s25] =	ssyncadd.s32 $0xFFFFEC00  }
0x1e: {  	[spmem:s1] =	stream.indirect.scatter.add.f32 [tilespmem:s23], [sflag:$0x3], $0x40, s28, s21, $0xb8;
	[tilespmem:$0x11800] =	vst v63  }
0x1f: {  	_ =	swait.ge [sflag:s17], $0x1400  }
0x20: {  	s29 =	sadd.s32 $0x1, s29;
	[sflag:s17] =	ssyncset.done $0x0  }
0x21: {  	p1 =	sne.s32 s29, s16;
	[sflag:s17] =	ssyncadd.s32 $0xFFFFEC00  }
.Ltmp1:
0x22: {  	s0 =	sadd.s32 s30, s10;
	[bflag:$0x0] =	sbarrier.arrive $0xFFFF;
	(pc) =	sbr.rel @!p1 .LBB2_13-.Ltmp1, $4  }
0x23: {  	[hbm:s0], [sflag:s19] =	dma.local [spmem:s20], $0x1400  }
0x24: {  	_ =	swait.ge [sflag:s17], $0x1400  }
0x25: {  	[sflag:s17] =	ssyncset.done $0x0  }
0x26: {  	[sflag:s17] =	ssyncadd.s32 $0xFFFFEC00  }
.LBB2_1:
0x27: {  	[tilespmem:s3], [sflag:$0x3] =	stream.linear.gather [hbm4b:s12+s3], $0x2800, $0x38;
	[tilespmem:$0x11800] =	vst v63  }
0x28: {  	_ =	swait.ge [sflag:s17], $0x2800  }
0x29: {  	[sflag:s17] =	ssyncset.done $0x0  }
0x2a: {  	[sflag:s17] =	ssyncadd.s32 $0xFFFFD800  }
0x2b: {  	[tilespmem:s18], [sflag:$0x3] =	stream.linear.gather [hbm4b:s13+s3], $0x2800, $0x38;
	[tilespmem:$0x11800] =	vst v63  }
0x2c: {  	_ =	swait.ge [sflag:s17], $0x2800  }
0x2d: {  	[sflag:s17] =	ssyncset.done $0x0  }
0x2e: {  	[sflag:s17] =	ssyncadd.s32 $0xFFFFD800  }
0x2f: {  	[spmem:s20], [sflag:s19] =	dma.local [hbm:s8], $0x1400  }
.Ltmp2:
0x30: {  	_ =	swait.ge [sflag:s17], $0x1400;
	(pc) =	sbr.rel @!p0 .LBB2_2-.Ltmp2, $3  }
0x31: {  	[sflag:s17] =	ssyncset.done $0x0  }
0x32: {  	[sflag:s17] =	ssyncadd.s32 $0xFFFFEC00  }
0x33: {  	[bflag:$0x0] =	sbarrier.arrive $0xFFFF;
	_ =	sdelay $0x1  }
0x34: {  	s0 =	simm.s32 $0x0  }
0x35: {  	[tilespmem:s22], [sflag:$0x1] =	stream.indirect.gather [hbm4b:s6+s21], $0x40, s0, s21, $0xb8;
	[tilespmem:$0x11800] =	vst v63  }
0x36: {  	_ = 	snop  }
0x37: {  	[tilespmem:s23], [sflag:$0x2] =	stream.indirect.gather [hbm4b:s6+s21], $0x40, s21, s21, $0xb8;
	[tilespmem:$0x11800] =	vst v63  }
0x38: {  	_ =	swait.ge [sflag:s24], $0x1400  }
0x39: {  	[sflag:s24] =	ssyncset.done $0x0  }
0x3a: {  	s0 =	simm.s32 $0x2800;
	[sflag:s24] =	ssyncadd.s32 $0xFFFFEC00  }
0x3b: {  	[spmem:s1] =	stream.indirect.scatter.add.f32 [tilespmem:s22], [sflag:$0x3], $0x40, s0, s21, $0xb8;
	[tilespmem:$0x11800] =	vst v63  }
0x3c: {  	_ =	swait.ge [sflag:s17], $0x1400  }
0x3d: {  	[sflag:s17] =	ssyncset.done $0x0  }
0x3e: {  	s0 =	simm.s32 $0xA0;
	[sflag:s17] =	ssyncadd.s32 $0xFFFFEC00  }
0x3f: {  	[tilespmem:s22], [sflag:$0x1] =	stream.indirect.gather [hbm4b:s6+s21], $0x40, s0, s21, $0xb8;
	[tilespmem:$0x11800] =	vst v63  }
0x40: {  	_ =	swait.ge [sflag:s25], $0x1400  }
0x41: {  	[sflag:s25] =	ssyncset.done $0x0  }
0x42: {  	s0 =	simm.s32 $0x2850;
	[sflag:s25] =	ssyncadd.s32 $0xFFFFEC00  }
0x43: {  	[spmem:s1] =	stream.indirect.scatter.add.f32 [tilespmem:s23], [sflag:$0x3], $0x40, s0, s21, $0xb8;
	[tilespmem:$0x11800] =	vst v63  }
0x44: {  	_ =	swait.ge [sflag:s17], $0x1400  }
0x45: {  	[sflag:s17] =	ssyncset.done $0x0  }
0x46: {  	s30 =	simm.s32 $0x280;
	s31 =	simm.s32 $0xF0;
	[sflag:s17] =	ssyncadd.s32 $0xFFFFEC00  }
.LBB2_8:
0x47: {  	[tilespmem:s23], [sflag:$0x2] =	stream.indirect.gather [hbm4b:s6+s21], $0x40, s31, s21, $0xb8;
	[tilespmem:$0x11800] =	vst v63  }
0x48: {  	s0 =	smov.u32 s30  }
0x49: {  	p1 =	sne.s32 s30, $0x9B00;
	s30 =	sadd.s32 $0x280, s30;
	_ =	swait.ge [sflag:s24], $0x1400  }
0x4a: {  	s0 =	sshra.s32 s0, $0x2;
	[sflag:s24] =	ssyncset.done $0x0  }
0x4b: {  	s31 =	sadd.s32 $0x2800, s0;
	[sflag:s24] =	ssyncadd.s32 $0xFFFFEC00  }
0x4c: {  	[spmem:s1] =	stream.indirect.scatter.add.f32 [tilespmem:s22], [sflag:$0x3], $0x40, s31, s21, $0xb8;
	[tilespmem:$0x11800] =	vst v63  }
0x4d: {  	_ =	swait.ge [sflag:s17], $0x1400  }
0x4e: {  	[sflag:s17] =	ssyncset.done $0x0  }
0x4f: {  	s31 =	sadd.s32 $0xA0, s0;
	[sflag:s17] =	ssyncadd.s32 $0xFFFFEC00  }
0x50: {  	[tilespmem:s22], [sflag:$0x1] =	stream.indirect.gather [hbm4b:s6+s21], $0x40, s31, s21, $0xb8;
	[tilespmem:$0x11800] =	vst v63  }
0x51: {  	_ =	swait.ge [sflag:s25], $0x1400  }
0x52: {  	[sflag:s25] =	ssyncset.done $0x0  }
.Ltmp3:
0x53: {  	s31 =	sadd.s32 $0x2850, s0;
	[sflag:s25] =	ssyncadd.s32 $0xFFFFEC00;
	(pc) =	sbr.rel @p1 .LBB2_8-.Ltmp3, $4  }
0x54: {  	[spmem:s1] =	stream.indirect.scatter.add.f32 [tilespmem:s23], [sflag:$0x3], $0x40, s31, s21, $0xb8;
	[tilespmem:$0x11800] =	vst v63  }
0x55: {  	_ =	swait.ge [sflag:s17], $0x1400  }
0x56: {  	[sflag:s17] =	ssyncset.done $0x0  }
0x57: {  	s31 =	sadd.s32 $0xF0, s0;
	[sflag:s17] =	ssyncadd.s32 $0xFFFFEC00  }
0x58: {  	[tilespmem:s23], [sflag:$0x2] =	stream.indirect.gather [hbm4b:s6+s21], $0x40, s31, s21, $0xb8;
	[tilespmem:$0x11800] =	vst v63  }
0x59: {  	_ =	swait.ge [sflag:s24], $0x1400  }
0x5a: {  	[sflag:s24] =	ssyncset.done $0x0  }
0x5b: {  	[sflag:s24] =	ssyncadd.s32 $0xFFFFEC00  }
0x5c: {  	[spmem:s1] =	stream.indirect.scatter.add.f32 [tilespmem:s22], [sflag:$0x3], $0x40, s26, s21, $0xb8;
	[tilespmem:$0x11800] =	vst v63  }
0x5d: {  	_ =	swait.ge [sflag:s17], $0x1400  }
0x5e: {  	[sflag:s17] =	ssyncset.done $0x0  }
0x5f: {  	[sflag:s17] =	ssyncadd.s32 $0xFFFFEC00  }
0x60: {  	_ =	swait.ge [sflag:s25], $0x1400  }
0x61: {  	[sflag:s25] =	ssyncset.done $0x0  }
0x62: {  	[sflag:s25] =	ssyncadd.s32 $0xFFFFEC00  }
0x63: {  	[spmem:s1] =	stream.indirect.scatter.add.f32 [tilespmem:s23], [sflag:$0x3], $0x40, s28, s21, $0xb8;
	[tilespmem:$0x11800] =	vst v63  }
0x64: {  	_ =	swait.ge [sflag:s17], $0x1400  }
0x65: {  	[sflag:s17] =	ssyncset.done $0x0  }
0x66: {  	[sflag:s17] =	ssyncadd.s32 $0xFFFFEC00  }
0x67: {  	[bflag:$0x0] =	sbarrier.arrive $0xFFFF  }
0x68: {  	[hbm:s15], [sflag:s19] =	dma.local [spmem:s20], $0x1400  }
0x69: {  	_ =	swait.ge [sflag:s17], $0x1400  }
0x6a: {  	[sflag:s17] =	ssyncset.done $0x0  }
0x6b: {  	[sflag:s17] =	ssyncadd.s32 $0xFFFFEC00  }
0x6c: {  	[spmem:s20], [sflag:s19] =	dma.local [hbm:s8], $0x1400  }
0x6d: {  	_ =	swait.ge [sflag:s17], $0x1400  }
0x6e: {  	[sflag:s17] =	ssyncset.done $0x0  }
0x6f: {  	[sflag:s17] =	ssyncadd.s32 $0xFFFFEC00  }
0x70: {  	s0 =	simm.s32 $0x0;
	[bflag:$0x0] =	sbarrier.arrive $0xFFFF  }
0x71: {  	[tilespmem:s22], [sflag:$0x1] =	stream.indirect.gather [hbm4b:s7+s21], $0x40, s0, s21, $0xb8;
	[tilespmem:$0x11800] =	vst v63  }
0x72: {  	_ = 	snop  }
0x73: {  	[tilespmem:s23], [sflag:$0x2] =	stream.indirect.gather [hbm4b:s7+s21], $0x40, s21, s21, $0xb8;
	[tilespmem:$0x11800] =	vst v63  }
0x74: {  	_ =	swait.ge [sflag:s24], $0x1400  }
0x75: {  	[sflag:s24] =	ssyncset.done $0x0  }
0x76: {  	s0 =	simm.s32 $0x2800;
	[sflag:s24] =	ssyncadd.s32 $0xFFFFEC00  }
0x77: {  	[spmem:s1] =	stream.indirect.scatter.add.f32 [tilespmem:s22], [sflag:$0x3], $0x40, s0, s21, $0xb8;
	[tilespmem:$0x11800] =	vst v63  }
0x78: {  	_ =	swait.ge [sflag:s17], $0x1400  }
0x79: {  	[sflag:s17] =	ssyncset.done $0x0  }
0x7a: {  	s0 =	simm.s32 $0xA0;
	[sflag:s17] =	ssyncadd.s32 $0xFFFFEC00  }
0x7b: {  	[tilespmem:s22], [sflag:$0x1] =	stream.indirect.gather [hbm4b:s7+s21], $0x40, s0, s21, $0xb8;
	[tilespmem:$0x11800] =	vst v63  }
0x7c: {  	_ =	swait.ge [sflag:s25], $0x1400  }
0x7d: {  	[sflag:s25] =	ssyncset.done $0x0  }
0x7e: {  	s0 =	simm.s32 $0x2850;
	[sflag:s25] =	ssyncadd.s32 $0xFFFFEC00  }
0x7f: {  	[spmem:s1] =	stream.indirect.scatter.add.f32 [tilespmem:s23], [sflag:$0x3], $0x40, s0, s21, $0xb8;
	[tilespmem:$0x11800] =	vst v63  }
0x80: {  	_ =	swait.ge [sflag:s17], $0x1400  }
0x81: {  	[sflag:s17] =	ssyncset.done $0x0  }
0x82: {  	s30 =	simm.s32 $0x280;
	s31 =	simm.s32 $0xF0;
	[sflag:s17] =	ssyncadd.s32 $0xFFFFEC00  }
.LBB2_10:
0x83: {  	[tilespmem:s23], [sflag:$0x2] =	stream.indirect.gather [hbm4b:s7+s21], $0x40, s31, s21, $0xb8;
	[tilespmem:$0x11800] =	vst v63  }
0x84: {  	s0 =	smov.u32 s30  }
0x85: {  	p1 =	sne.s32 s30, $0x9B00;
	s30 =	sadd.s32 $0x280, s30;
	_ =	swait.ge [sflag:s24], $0x1400  }
0x86: {  	s0 =	sshra.s32 s0, $0x2;
	[sflag:s24] =	ssyncset.done $0x0  }
0x87: {  	s31 =	sadd.s32 $0x2800, s0;
	[sflag:s24] =	ssyncadd.s32 $0xFFFFEC00  }
0x88: {  	[spmem:s1] =	stream.indirect.scatter.add.f32 [tilespmem:s22], [sflag:$0x3], $0x40, s31, s21, $0xb8;
	[tilespmem:$0x11800] =	vst v63  }
0x89: {  	_ =	swait.ge [sflag:s17], $0x1400  }
0x8a: {  	[sflag:s17] =	ssyncset.done $0x0  }
0x8b: {  	s31 =	sadd.s32 $0xA0, s0;
	[sflag:s17] =	ssyncadd.s32 $0xFFFFEC00  }
0x8c: {  	[tilespmem:s22], [sflag:$0x1] =	stream.indirect.gather [hbm4b:s7+s21], $0x40, s31, s21, $0xb8;
	[tilespmem:$0x11800] =	vst v63  }
0x8d: {  	_ =	swait.ge [sflag:s25], $0x1400  }
0x8e: {  	[sflag:s25] =	ssyncset.done $0x0  }
.Ltmp4:
0x8f: {  	s31 =	sadd.s32 $0x2850, s0;
	[sflag:s25] =	ssyncadd.s32 $0xFFFFEC00;
	(pc) =	sbr.rel @p1 .LBB2_10-.Ltmp4, $4  }
0x90: {  	[spmem:s1] =	stream.indirect.scatter.add.f32 [tilespmem:s23], [sflag:$0x3], $0x40, s31, s21, $0xb8;
	[tilespmem:$0x11800] =	vst v63  }
0x91: {  	_ =	swait.ge [sflag:s17], $0x1400  }
0x92: {  	[sflag:s17] =	ssyncset.done $0x0  }
0x93: {  	s31 =	sadd.s32 $0xF0, s0;
	[sflag:s17] =	ssyncadd.s32 $0xFFFFEC00  }
.Ltmp5:
0x94: {  	_ = 	snop;
	(pc) =	sbr.rel .LBB2_11-.Ltmp5, $1  }
0x95: {  	_ =	sdelay $0x3  }
.LBB2_2:
0x96: {  	s30 =	simm.s32 $0x0  }
0x97: {  	[tilespmem:s22], [sflag:$0x1] =	stream.indirect.gather [hbm4b:s4+s21], $0x40, s30, s21, $0xb8;
	[tilespmem:$0x11800] =	vst v63  }
0x98: {  	_ = 	snop  }
0x99: {  	[tilespmem:s23], [sflag:$0x2] =	stream.indirect.gather [hbm4b:s4+s21], $0x40, s21, s21, $0xb8;
	[tilespmem:$0x11800] =	vst v63  }
0x9a: {  	_ =	swait.ge [sflag:s24], $0x1400  }
0x9b: {  	[sflag:s24] =	ssyncset.done $0x0  }
0x9c: {  	s30 =	simm.s32 $0x2800;
	[sflag:s24] =	ssyncadd.s32 $0xFFFFEC00  }
0x9d: {  	[spmem:s1] =	stream.indirect.scatter.add.f32 [tilespmem:s22], [sflag:$0x3], $0x40, s30, s21, $0xb8;
	[tilespmem:$0x11800] =	vst v63  }
0x9e: {  	_ =	swait.ge [sflag:s17], $0x1400  }
0x9f: {  	[sflag:s17] =	ssyncset.done $0x0  }
0xa0: {  	s30 =	simm.s32 $0xA0;
	[sflag:s17] =	ssyncadd.s32 $0xFFFFEC00  }
0xa1: {  	[tilespmem:s22], [sflag:$0x1] =	stream.indirect.gather [hbm4b:s4+s21], $0x40, s30, s21, $0xb8;
	[tilespmem:$0x11800] =	vst v63  }
0xa2: {  	_ =	swait.ge [sflag:s25], $0x1400  }
0xa3: {  	[sflag:s25] =	ssyncset.done $0x0  }
0xa4: {  	s30 =	simm.s32 $0x2850;
	[sflag:s25] =	ssyncadd.s32 $0xFFFFEC00  }
0xa5: {  	[spmem:s1] =	stream.indirect.scatter.add.f32 [tilespmem:s23], [sflag:$0x3], $0x40, s30, s21, $0xb8;
	[tilespmem:$0x11800] =	vst v63  }
0xa6: {  	_ =	swait.ge [sflag:s17], $0x1400  }
0xa7: {  	[sflag:s17] =	ssyncset.done $0x0  }
0xa8: {  	s31 =	simm.s32 $0xF0;
	s30 =	simm.s32 $0x280;
	[sflag:s17] =	ssyncadd.s32 $0xFFFFEC00  }
.LBB2_3:
0xa9: {  	[tilespmem:s23], [sflag:$0x2] =	stream.indirect.gather [hbm4b:s4+s21], $0x40, s31, s21, $0xb8;
	[tilespmem:$0x11800] =	vst v63  }
0xaa: {  	s31 =	smov.u32 s30  }
0xab: {  	p1 =	sne.s32 s30, $0x9B00;
	s30 =	sadd.s32 $0x280, s30;
	_ =	swait.ge [sflag:s24], $0x1400  }
0xac: {  	s31 =	sshra.s32 s31, $0x2;
	[sflag:s24] =	ssyncset.done $0x0  }
0xad: {  	s0 =	sadd.s32 $0x2800, s31;
	[sflag:s24] =	ssyncadd.s32 $0xFFFFEC00  }
0xae: {  	[spmem:s1] =	stream.indirect.scatter.add.f32 [tilespmem:s22], [sflag:$0x3], $0x40, s0, s21, $0xb8;
	[tilespmem:$0x11800] =	vst v63  }
0xaf: {  	_ =	swait.ge [sflag:s17], $0x1400  }
0xb0: {  	[sflag:s17] =	ssyncset.done $0x0  }
0xb1: {  	s0 =	sadd.s32 $0xA0, s31;
	[sflag:s17] =	ssyncadd.s32 $0xFFFFEC00  }
0xb2: {  	[tilespmem:s22], [sflag:$0x1] =	stream.indirect.gather [hbm4b:s4+s21], $0x40, s0, s21, $0xb8;
	[tilespmem:$0x11800] =	vst v63  }
0xb3: {  	_ =	swait.ge [sflag:s25], $0x1400  }
0xb4: {  	[sflag:s25] =	ssyncset.done $0x0  }
.Ltmp6:
0xb5: {  	s0 =	sadd.s32 $0x2850, s31;
	[sflag:s25] =	ssyncadd.s32 $0xFFFFEC00;
	(pc) =	sbr.rel @p1 .LBB2_3-.Ltmp6, $4  }
0xb6: {  	[spmem:s1] =	stream.indirect.scatter.add.f32 [tilespmem:s23], [sflag:$0x3], $0x40, s0, s21, $0xb8;
	[tilespmem:$0x11800] =	vst v63  }
0xb7: {  	_ =	swait.ge [sflag:s17], $0x1400  }
0xb8: {  	[sflag:s17] =	ssyncset.done $0x0  }
0xb9: {  	s31 =	sadd.s32 $0xF0, s31;
	[sflag:s17] =	ssyncadd.s32 $0xFFFFEC00  }
0xba: {  	[tilespmem:s23], [sflag:$0x2] =	stream.indirect.gather [hbm4b:s4+s21], $0x40, s31, s21, $0xb8;
	[tilespmem:$0x11800] =	vst v63  }
0xbb: {  	_ =	swait.ge [sflag:s24], $0x1400  }
0xbc: {  	[sflag:s24] =	ssyncset.done $0x0  }
0xbd: {  	[sflag:s24] =	ssyncadd.s32 $0xFFFFEC00  }
0xbe: {  	[spmem:s1] =	stream.indirect.scatter.add.f32 [tilespmem:s22], [sflag:$0x3], $0x40, s26, s21, $0xb8;
	[tilespmem:$0x11800] =	vst v63  }
0xbf: {  	_ =	swait.ge [sflag:s17], $0x1400  }
0xc0: {  	[sflag:s17] =	ssyncset.done $0x0  }
0xc1: {  	[sflag:s17] =	ssyncadd.s32 $0xFFFFEC00  }
0xc2: {  	_ =	swait.ge [sflag:s25], $0x1400  }
0xc3: {  	[sflag:s25] =	ssyncset.done $0x0  }
0xc4: {  	[sflag:s25] =	ssyncadd.s32 $0xFFFFEC00  }
0xc5: {  	[spmem:s1] =	stream.indirect.scatter.add.f32 [tilespmem:s23], [sflag:$0x3], $0x40, s28, s21, $0xb8;
	[tilespmem:$0x11800] =	vst v63  }
0xc6: {  	_ =	swait.ge [sflag:s17], $0x1400  }
0xc7: {  	[sflag:s17] =	ssyncset.done $0x0  }
0xc8: {  	[sflag:s17] =	ssyncadd.s32 $0xFFFFEC00  }
0xc9: {  	[bflag:$0x0] =	sbarrier.arrive $0xFFFF  }
0xca: {  	[hbm:s14], [sflag:s19] =	dma.local [spmem:s20], $0x1400  }
0xcb: {  	_ =	swait.ge [sflag:s17], $0x1400  }
0xcc: {  	[sflag:s17] =	ssyncset.done $0x0  }
0xcd: {  	[sflag:s17] =	ssyncadd.s32 $0xFFFFEC00  }
0xce: {  	[spmem:s20], [sflag:s19] =	dma.local [hbm:s8], $0x1400  }
0xcf: {  	_ =	swait.ge [sflag:s17], $0x1400  }
0xd0: {  	[sflag:s17] =	ssyncset.done $0x0  }
0xd1: {  	[sflag:s17] =	ssyncadd.s32 $0xFFFFEC00  }
0xd2: {  	s0 =	simm.s32 $0x0;
	[bflag:$0x0] =	sbarrier.arrive $0xFFFF  }
0xd3: {  	[tilespmem:s22], [sflag:$0x1] =	stream.indirect.gather [hbm4b:s5+s21], $0x40, s0, s21, $0xb8;
	[tilespmem:$0x11800] =	vst v63  }
0xd4: {  	_ = 	snop  }
0xd5: {  	[tilespmem:s23], [sflag:$0x2] =	stream.indirect.gather [hbm4b:s5+s21], $0x40, s21, s21, $0xb8;
	[tilespmem:$0x11800] =	vst v63  }
0xd6: {  	_ =	swait.ge [sflag:s24], $0x1400  }
0xd7: {  	[sflag:s24] =	ssyncset.done $0x0  }
0xd8: {  	s0 =	simm.s32 $0x2800;
	[sflag:s24] =	ssyncadd.s32 $0xFFFFEC00  }
0xd9: {  	[spmem:s1] =	stream.indirect.scatter.add.f32 [tilespmem:s22], [sflag:$0x3], $0x40, s0, s21, $0xb8;
	[tilespmem:$0x11800] =	vst v63  }
0xda: {  	_ =	swait.ge [sflag:s17], $0x1400  }
0xdb: {  	[sflag:s17] =	ssyncset.done $0x0  }
0xdc: {  	s0 =	simm.s32 $0xA0;
	[sflag:s17] =	ssyncadd.s32 $0xFFFFEC00  }
0xdd: {  	[tilespmem:s22], [sflag:$0x1] =	stream.indirect.gather [hbm4b:s5+s21], $0x40, s0, s21, $0xb8;
	[tilespmem:$0x11800] =	vst v63  }
0xde: {  	_ =	swait.ge [sflag:s25], $0x1400  }
0xdf: {  	[sflag:s25] =	ssyncset.done $0x0  }
0xe0: {  	s0 =	simm.s32 $0x2850;
	[sflag:s25] =	ssyncadd.s32 $0xFFFFEC00  }
0xe1: {  	[spmem:s1] =	stream.indirect.scatter.add.f32 [tilespmem:s23], [sflag:$0x3], $0x40, s0, s21, $0xb8;
	[tilespmem:$0x11800] =	vst v63  }
0xe2: {  	_ =	swait.ge [sflag:s17], $0x1400  }
0xe3: {  	[sflag:s17] =	ssyncset.done $0x0  }
0xe4: {  	s30 =	simm.s32 $0x280;
	s31 =	simm.s32 $0xF0;
	[sflag:s17] =	ssyncadd.s32 $0xFFFFEC00  }
.LBB2_5:
0xe5: {  	[tilespmem:s23], [sflag:$0x2] =	stream.indirect.gather [hbm4b:s5+s21], $0x40, s31, s21, $0xb8;
	[tilespmem:$0x11800] =	vst v63  }
0xe6: {  	s0 =	smov.u32 s30  }
0xe7: {  	p1 =	seq.s32 s30, $0x9B00;
	s30 =	sadd.s32 $0x280, s30;
	_ =	swait.ge [sflag:s24], $0x1400  }
0xe8: {  	s0 =	sshra.s32 s0, $0x2;
	[sflag:s24] =	ssyncset.done $0x0  }
0xe9: {  	s31 =	sadd.s32 $0x2800, s0;
	[sflag:s24] =	ssyncadd.s32 $0xFFFFEC00  }
0xea: {  	[spmem:s1] =	stream.indirect.scatter.add.f32 [tilespmem:s22], [sflag:$0x3], $0x40, s31, s21, $0xb8;
	[tilespmem:$0x11800] =	vst v63  }
0xeb: {  	_ =	swait.ge [sflag:s17], $0x1400  }
0xec: {  	[sflag:s17] =	ssyncset.done $0x0  }
0xed: {  	s31 =	sadd.s32 $0xA0, s0;
	[sflag:s17] =	ssyncadd.s32 $0xFFFFEC00  }
0xee: {  	[tilespmem:s22], [sflag:$0x1] =	stream.indirect.gather [hbm4b:s5+s21], $0x40, s31, s21, $0xb8;
	[tilespmem:$0x11800] =	vst v63  }
0xef: {  	_ =	swait.ge [sflag:s25], $0x1400  }
0xf0: {  	[sflag:s25] =	ssyncset.done $0x0  }
.Ltmp7:
0xf1: {  	s31 =	sadd.s32 $0x2850, s0;
	[sflag:s25] =	ssyncadd.s32 $0xFFFFEC00;
	(pc) =	sbr.rel @!p1 .LBB2_5-.Ltmp7, $4  }
0xf2: {  	[spmem:s1] =	stream.indirect.scatter.add.f32 [tilespmem:s23], [sflag:$0x3], $0x40, s31, s21, $0xb8;
	[tilespmem:$0x11800] =	vst v63  }
0xf3: {  	_ =	swait.ge [sflag:s17], $0x1400  }
0xf4: {  	[sflag:s17] =	ssyncset.done $0x0  }
0xf5: {  	s31 =	sadd.s32 $0xF0, s0;
	[sflag:s17] =	ssyncadd.s32 $0xFFFFEC00  }
.Ltmp8:
0xf6: {  	(pc) =	sbr.rel .LBB2_12-.Ltmp8, $3  }
0xf7: {  	_ =	sdelay $0x1  }
0xf8: {  	[tilespmem:s23], [sflag:$0x2] =	stream.indirect.gather [hbm4b:s5+s21], $0x40, s31, s21, $0xb8;
	[tilespmem:$0x11800] =	vst v63  }
0xf9: {  	s30 =	smov.u32 s9  }
.LBB2_13:
0xfa: {  	_ =	sfence.sel $0x180000  }
0xfb: {  	[bflag:$0x0] =	sbarrier.arrive $0xFFFF  }
0xfc: {  	_ =	strace $0x90000047  }
0xfd: {  	[bflag:$0x2] =	sbarrier.arrive $0xFFFF  }
0xfe: {  	p0 =	sne.s32 s2, $0x0;
	s0 =	rddreg [dreg:$0x3]  }
0xff: {  	s0 =	sadd.s32 @!p0 $0x100000, s0  }
0x100: {  	[sflag:s0] =	ssyncadd.tile.s32 @!p0 $0x1;
	_ =	shalt  }
.Lfunc_end2:
_tile_overlayer_lowered:
.L_overlay_start_2:
0x101: {  	(tag) =	ssettag $0x2  }
0x102: {  	s0 =	rddreg [dreg:$0x0];
	s2 =	stileid.u32  }
0x103: {  	s1 =	rddreg [dreg:$0x1];
	p0 =	sne.s32 s2, $0x0  }
0x104: {  	s3 =	rddreg [dreg:$0x2];
	[bflag:$0x3] =	sbarrier.arrive $0xFFFF;
	s2 =	simm.s32 @!p0 $0x1C03  }
0x105: {  	[timem:s3], [sflag:s2] =	dma.local @!p0 [hbm:s0], s1  }
0x106: {  	s0 =	simm.s32 @!p0 $0x3  }
0x107: {  	_ =	swait.ge @!p0 [sflag:s0], s1  }
0x108: {  	s1 =	ssub.s32 @!p0 $0x0, s1;
	[sflag:s0] =	ssyncset.done @!p0 $0x0  }
0x109: {  	[sflag:s0] =	ssyncadd.s32 @!p0 s1  }
0x10a: {  	[bflag:$0x3] =	sbarrier.arrive $0xFFFF  }
0x10b: {  	_ =	shalt  }

</sc_bundles>
